<compile_context>
chip_gen: v7x
topology: tpu7x:2x2x1
jax: 0.10.2.dev20260603
libtpu: 0.0.44.dev20260713+nightly
codegen_flags: <defaults>
</compile_context>

<pallas_src>
import functools

import jax
import jax.numpy as jnp
from jax import lax
from jax.experimental import pallas as pl
from jax.experimental.pallas import tpu as pltpu
from jax.experimental.pallas import tpu_sc as plsc

_N_E = 256
_E_DIM = 1024
_BETA = 0.25
_ROWS = 8192
_R_BLK = 512

_NW = 32
_ROWS_PER_W = _ROWS // _NW
_CHUNK = 32
_NCHUNK = _ROWS_PER_W // _CHUNK
_NBUF = 3


def _vq_body(zb_ref, embt_ref, ee_ref, oh_ref, idx_ref, mind_ref, cnt_ref):
    x = zb_ref[0].reshape(512, 1024)
    t = jnp.transpose(x)
    zb = t.reshape(_R_BLK, _E_DIM)
    s = jnp.dot(zb, embt_ref[...], preferred_element_type=jnp.float32)
    zz = jnp.sum(zb * zb, axis=1, keepdims=True)
    d = (zz + ee_ref[...]) - 2.0 * s
    mind = jnp.min(d, axis=1, keepdims=True)
    iota = lax.broadcasted_iota(jnp.int32, d.shape, 1)
    idx = jnp.min(jnp.where(d == mind, iota, _N_E), axis=1)
    oh = (iota == idx[:, None]).astype(jnp.float32)
    oh_ref[...] = oh
    idx_ref[0, 0, :] = idx
    mind_ref[0, 0, :] = mind[:, 0]
    row0 = lax.broadcasted_iota(jnp.int32, (8, _N_E), 0) == 0
    contrib = jnp.where(
        row0, jnp.broadcast_to(jnp.sum(oh, axis=0)[None, :], (8, _N_E)), 0.0
    )

    @pl.when(pl.program_id(0) == 0)
    def _init():
        cnt_ref[...] = contrib

    @pl.when(pl.program_id(0) != 0)
    def _acc():
        cnt_ref[...] += contrib


def _conv_body(emb2_ref, wt_ref, b_ref, out_ref):
    out_ref[...] = (
        jnp.dot(emb2_ref[...], wt_ref[...], preferred_element_type=jnp.float32)
        + b_ref[...]
    )


def _sc_gather(table_hbm, idx_hbm, out_hbm, idx_v, b0, b1, b2, g0, g1, g2, w0, w1, w2):
    wid = lax.axis_index("c") * 16 + lax.axis_index("s")
    base = wid * _ROWS_PER_W
    pltpu.sync_copy(idx_hbm.at[wid], idx_v)
    bufs = (b0, b1, b2)
    gsems = (g0, g1, g2)
    wsems = (w0, w1, w2)
    gh, wh = {}, {}

    rep = wid % 16

    def start_gather(c):
        gh[c] = pltpu.async_copy(
            table_hbm.at[rep].at[idx_v.at[c]], bufs[c % _NBUF], gsems[c % _NBUF]
        )

    start_gather(0)
    if _NCHUNK > 1:
        start_gather(1)
    for c in range(_NCHUNK):
        gh[c].wait()
        wh[c] = pltpu.async_copy(
            bufs[c % _NBUF],
            out_hbm.at[pl.ds(base + c * _CHUNK, _CHUNK)],
            wsems[c % _NBUF],
        )
        nxt = c + 2
        if nxt < _NCHUNK:
            if nxt - _NBUF in wh:
                wh[nxt - _NBUF].wait()
            start_gather(nxt)
    for c in range(max(0, _NCHUNK - _NBUF), _NCHUNK):
        wh[c].wait()


@functools.lru_cache(maxsize=1)
def _sc_gather_call():
    return pl.kernel(
        _sc_gather,
        out_type=jax.ShapeDtypeStruct((_ROWS, _E_DIM), jnp.float32),
        mesh=plsc.VectorSubcoreMesh(core_axis_name="c", subcore_axis_name="s"),
        scratch_types=[
            pltpu.VMEM((_NCHUNK, _CHUNK), jnp.int32),
            pltpu.VMEM((_CHUNK, _E_DIM), jnp.float32),
            pltpu.VMEM((_CHUNK, _E_DIM), jnp.float32),
            pltpu.VMEM((_CHUNK, _E_DIM), jnp.float32),
            pltpu.SemaphoreType.DMA,
            pltpu.SemaphoreType.DMA,
            pltpu.SemaphoreType.DMA,
            pltpu.SemaphoreType.DMA,
            pltpu.SemaphoreType.DMA,
            pltpu.SemaphoreType.DMA,
        ],
    )


def kernel(z, emb_w, conv_w, conv_b):
    zshape = (16, 32, 32, 512)
    emb_t = emb_w.T
    ee = jnp.sum(emb_w**2, axis=1)[None, :]

    grid = _ROWS // _R_BLK
    onehot, idx3, mind3, counts8 = pl.pallas_call(
        _vq_body,
        grid=(grid,),
        in_specs=[
            pl.BlockSpec((1, 512, 32, 32), lambda i: (i, 0, 0, 0)),
            pl.BlockSpec((_E_DIM, _N_E), lambda i: (0, 0)),
            pl.BlockSpec((1, _N_E), lambda i: (0, 0)),
        ],
        out_specs=[
            pl.BlockSpec((_R_BLK, _N_E), lambda i: (i, 0)),
            pl.BlockSpec((1, 1, _R_BLK), lambda i: (i, 0, 0)),
            pl.BlockSpec((1, 1, _R_BLK), lambda i: (i, 0, 0)),
            pl.BlockSpec((8, _N_E), lambda i: (0, 0)),
        ],
        out_shape=[
            jax.ShapeDtypeStruct((_ROWS, _N_E), jnp.float32),
            jax.ShapeDtypeStruct((grid, 1, _R_BLK), jnp.int32),
            jax.ShapeDtypeStruct((grid, 1, _R_BLK), jnp.float32),
            jax.ShapeDtypeStruct((8, _N_E), jnp.float32),
        ],
    )(z, emb_t, ee)

    indices = idx3.reshape(_ROWS, 1)

    emb2 = emb_w.reshape(2 * _N_E, 512)
    wt = conv_w[:, :, 0, 0].T
    emb_conv = pl.pallas_call(
        _conv_body,
        out_shape=jax.ShapeDtypeStruct((2 * _N_E, 512), jnp.float32),
    )(emb2, wt, conv_b[None, :]).reshape(_N_E, _E_DIM)

    idx_chunks = idx3.reshape(_NW, _NCHUNK, _CHUNK)
    table8 = jnp.broadcast_to(emb_conv[None], (16, _N_E, _E_DIM)) + 0.0
    out_flat = _sc_gather_call()(table8, idx_chunks)
    out = out_flat.reshape(zshape).transpose(0, 3, 1, 2)

    mind = mind3.reshape(_ROWS)
    m = jnp.sum(mind) / (_ROWS * _E_DIM)
    loss = m + _BETA * m
    e_mean = jnp.sum(counts8, axis=0) / _ROWS
    perplexity = jnp.exp(-jnp.sum(e_mean * jnp.log(e_mean + 1e-10)))
    return (out, loss, perplexity, onehot, indices)

# --- scband reference (transcript-rebuilt; emitter-appended) ---
"""Pipeline reference for scband-embedding-group-72456098284168 (READ-ONLY COPY).

The authoritative reference and input builder live on the scoring server;
editing this copy changes nothing except your own understanding.
"""

import jax, jax.numpy as jnp
import numpy as np

N_E = 256
E_DIM = 1024
BETA = 0.25


def setup_inputs(seed: int = 0) -> dict:
    key = jax.random.key(seed)
    k1, k2, k3, k4 = jax.random.split(key, 4)
    z = jax.random.normal(k1, (16, 512, 32, 32), dtype=jnp.float32)
    emb_w = jax.random.normal(k2, (N_E, E_DIM), dtype=jnp.float32)
    conv_w = jax.random.normal(k3, (512, 512, 1, 1), dtype=jnp.float32) * 0.04
    conv_b = jnp.zeros((512,), dtype=jnp.float32)
    return {"z": z, "emb_w": emb_w, "conv_w": conv_w, "conv_b": conv_b}


def reference(z, emb_w, conv_w, conv_b):
    # z: [B, C=512, H, W] -> permute to [B, H, W, C]
    z_p = jnp.transpose(z, (0, 2, 3, 1))
    zshape = z_p.shape
    # flatten into rows of e_dim=1024 (pairs of 512-channel pixels), like torch .view(-1, e_dim)
    z_flat = z_p.reshape(-1, E_DIM)
    # squared L2 distance to each codebook entry
    d = (jnp.sum(z_flat ** 2, axis=1, keepdims=True)
         + jnp.sum(emb_w ** 2, axis=1)
         - 2.0 * jnp.matmul(z_flat, emb_w.T))
    min_encoding_indices = jnp.argmin(d, axis=1)
    min_encodings = jax.nn.one_hot(min_encoding_indices, N_E, dtype=z.dtype)
    z_q = jnp.matmul(min_encodings, emb_w).reshape(zshape)
    # VQ loss with stop-gradients (detach)
    loss = (jnp.mean((jax.lax.stop_gradient(z_q) - z_p) ** 2)
            + BETA * jnp.mean((z_q - jax.lax.stop_gradient(z_p)) ** 2))
    # straight-through estimator
    z_q_st = z_p + jax.lax.stop_gradient(z_q - z_p)
    e_mean = jnp.mean(min_encodings, axis=0)
    perplexity = jnp.exp(-jnp.sum(e_mean * jnp.log(e_mean + 1e-10)))
    # back to [B, C, H, W] and 1x1 conv
    z_q2 = jnp.transpose(z_q_st, (0, 3, 1, 2))
    out = jnp.einsum('bchw,oc->bohw', z_q2, conv_w[:, :, 0, 0]) + conv_b[None, :, None, None]
    return (out, loss, perplexity, min_encodings, min_encoding_indices[:, None])

if __name__ == "__main__":
    import jax
    _d = setup_inputs()
    print(jax.jit(kernel)(*tuple(_d.values())))

</pallas_src>

<mosaic_0001>
#map = affine_map<(d0, d1) -> (0, 0, 0)>
#map1 = affine_map<(d0, d1) -> (0, 0)>
module attributes {stable_mosaic.version = 14 : i64} {
  func.func @_sc_gather(%arg0: i32, %arg1: i32, %arg2: memref<16x256x1024xf32, #tpu.memory_space<hbm>>, %arg3: memref<32x8x32xi32, #tpu.memory_space<hbm>>, %arg4: memref<8192x1024xf32, #tpu.memory_space<hbm>>, %arg5: memref<8x32xi32, #tpu.memory_space<vmem>>, %arg6: memref<32x1024xf32, #tpu.memory_space<vmem>>, %arg7: memref<32x1024xf32, #tpu.memory_space<vmem>>, %arg8: memref<32x1024xf32, #tpu.memory_space<vmem>>, %arg9: memref<!tpu.dma_semaphore, #tpu.memory_space<semaphore_mem>>, %arg10: memref<!tpu.dma_semaphore, #tpu.memory_space<semaphore_mem>>, %arg11: memref<!tpu.dma_semaphore, #tpu.memory_space<semaphore_mem>>, %arg12: memref<!tpu.dma_semaphore, #tpu.memory_space<semaphore_mem>>, %arg13: memref<!tpu.dma_semaphore, #tpu.memory_space<semaphore_mem>>, %arg14: memref<!tpu.dma_semaphore, #tpu.memory_space<semaphore_mem>>) attributes {dimension_semantics = [#tpu.dimension_semantics<core_parallel>, #tpu.dimension_semantics<subcore_parallel>], iteration_bounds = array<i64: 2, 16>, scalar_prefetch = 0 : i64, scratch_operands = 10 : i64, tpu.core_type = #tpu.core_type<sc_vector_subcore>, window_params = [{transform_indices = #map}, {transform_indices = #map}, {transform_indices = #map1}]} {
    %mul3A = arith.constant 16 : i32
    %mul3A_0 = arith.muli %arg0, %mul3A : i32
    %add3A = arith.addi %mul3A_0, %arg1 : i32
    %mul3A_1 = arith.constant 256 : i32
    %mul3A_2 = arith.muli %add3A, %mul3A_1 : i32
    "tpu.region"() ({
      %run_scoped3A = tpu.sem_alloc : memref<!tpu.dma_semaphore, #tpu.memory_space<semaphore_mem>>
      %dma_start3A_266 = arith.constant 0 : i32
      %dma_start3A_267 = arith.constant 0 : i32
      %dma_start3A_268 = tpu.memref_slice %arg3[%add3A, %dma_start3A_266, %dma_start3A_267] : memref<32x8x32xi32, #tpu.memory_space<hbm>> -> memref<1x8x32xi32, #tpu.memory_space<hbm>>
      %dma_start3A_269 = tpu.memref_squeeze %dma_start3A_268 : memref<1x8x32xi32, #tpu.memory_space<hbm>> -> memref<8x32xi32, #tpu.memory_space<hbm>>
      %dma_start3A_270 = arith.constant 0 : i32
      %dma_start3A_271 = arith.constant 0 : i32
      %dma_start3A_272 = tpu.memref_slice %arg3[%add3A, %dma_start3A_270, %dma_start3A_271] : memref<32x8x32xi32, #tpu.memory_space<hbm>> -> memref<1x8x32xi32, #tpu.memory_space<hbm>>
      %dma_start3A_273 = tpu.memref_squeeze %dma_start3A_272 : memref<1x8x32xi32, #tpu.memory_space<hbm>> -> memref<8x32xi32, #tpu.memory_space<hbm>>
      tpu.enqueue_dma source(%dma_start3A_273 : memref<8x32xi32, #tpu.memory_space<hbm>>) target(%arg5 : memref<8x32xi32, #tpu.memory_space<vmem>>) target_semaphore(%run_scoped3A : memref<!tpu.dma_semaphore, #tpu.memory_space<semaphore_mem>>)
      %dma_wait3A_274 = arith.constant 0 : i32
      %dma_wait3A_275 = arith.constant 0 : i32
      %dma_wait3A_276 = tpu.memref_slice %arg3[%add3A, %dma_wait3A_274, %dma_wait3A_275] : memref<32x8x32xi32, #tpu.memory_space<hbm>> -> memref<1x8x32xi32, #tpu.memory_space<hbm>>
      %dma_wait3A_277 = tpu.memref_squeeze %dma_wait3A_276 : memref<1x8x32xi32, #tpu.memory_space<hbm>> -> memref<8x32xi32, #tpu.memory_space<hbm>>
      %dma_wait3A_278 = arith.constant 0 : i32
      %dma_wait3A_279 = arith.constant 0 : i32
      %dma_wait3A_280 = tpu.memref_slice %arg3[%add3A, %dma_wait3A_278, %dma_wait3A_279] : memref<32x8x32xi32, #tpu.memory_space<hbm>> -> memref<1x8x32xi32, #tpu.memory_space<hbm>>
      %dma_wait3A_281 = tpu.memref_squeeze %dma_wait3A_280 : memref<1x8x32xi32, #tpu.memory_space<hbm>> -> memref<8x32xi32, #tpu.memory_space<hbm>>
      tpu.wait_dma2 semaphore(%run_scoped3A : memref<!tpu.dma_semaphore, #tpu.memory_space<semaphore_mem>>) src(%dma_wait3A_281 : memref<8x32xi32, #tpu.memory_space<hbm>>) dst(%arg5 : memref<8x32xi32, #tpu.memory_space<vmem>>)
      tpu.yield
    }) : () -> ()
    %jit3A = arith.constant 16 : i32
    %eq3A = arith.constant 0 : i32
    %eq3A_3 = arith.cmpi eq, %jit3A, %eq3A : i32
    %jit3A_4 = arith.constant 1 : i32
    %select_n3A = arith.select %eq3A_3, %jit3A_4, %jit3A : i32
    %rem3A = arith.remsi %add3A, %select_n3A : i32
    %ne3A = arith.constant 0 : i32
    %ne3A_5 = arith.cmpi ne, %rem3A, %ne3A : i32
    %lt3A = arith.constant 0 : i32
    %lt3A_6 = arith.cmpi slt, %rem3A, %lt3A : i32
    %lt3A_7 = arith.constant 0 : i32
    %lt3A_8 = arith.cmpi slt, %select_n3A, %lt3A_7 : i32
    %ne3A_9 = arith.xori %lt3A_6, %lt3A_8 : i1
    %and3A = arith.andi %ne3A_9, %ne3A_5 : i1
    %add3A_10 = arith.addi %rem3A, %select_n3A : i32
    %select_n3A_11 = arith.select %and3A, %add3A_10, %rem3A : i32
    %dma_start3A = arith.constant 0 : i32
    %dma_start3A_12 = arith.constant 0 : i32
    %dma_start3A_13 = tpu.memref_slice %arg5[%dma_start3A, %dma_start3A_12] : memref<8x32xi32, #tpu.memory_space<vmem>> -> memref<1x32xi32, #tpu.memory_space<vmem>>
    %dma_start3A_14 = tpu.memref_squeeze %dma_start3A_13 : memref<1x32xi32, #tpu.memory_space<vmem>> -> memref<32xi32, #tpu.memory_space<vmem>>
    %dma_start3A_15 = arith.constant 0 : i32
    %dma_start3A_16 = arith.constant 0 : i32
    %dma_start3A_17 = tpu.memref_slice %arg2[%select_n3A_11, %dma_start3A_15, %dma_start3A_16] : memref<16x256x1024xf32, #tpu.memory_space<hbm>> -> memref<1x256x1024xf32, #tpu.memory_space<hbm>>
    %dma_start3A_18 = tpu.memref_squeeze %dma_start3A_17 : memref<1x256x1024xf32, #tpu.memory_space<hbm>> -> memref<256x1024xf32, #tpu.memory_space<hbm>>
    %dma_start3A_19 = arith.constant 0 : i32
    %dma_start3A_20 = arith.constant 0 : i32
    %dma_start3A_21 = tpu.memref_slice %dma_start3A_18[%dma_start3A_19, %dma_start3A_20] : memref<256x1024xf32, #tpu.memory_space<hbm>> -> memref<256x1024xf32, #tpu.memory_space<hbm>>
    tpu.enqueue_indirect_dma source(%dma_start3A_21 : memref<256x1024xf32, #tpu.memory_space<hbm>>) target(%arg6 : memref<32x1024xf32, #tpu.memory_space<vmem>>) offsets(%dma_start3A_14 : memref<32xi32, #tpu.memory_space<vmem>>) semaphore(%arg9 : memref<!tpu.dma_semaphore, #tpu.memory_space<semaphore_mem>>)
    %dma_start3A_22 = arith.constant 1 : i32
    %dma_start3A_23 = arith.constant 0 : i32
    %dma_start3A_24 = tpu.memref_slice %arg5[%dma_start3A_22, %dma_start3A_23] : memref<8x32xi32, #tpu.memory_space<vmem>> -> memref<1x32xi32, #tpu.memory_space<vmem>>
    %dma_start3A_25 = tpu.memref_squeeze %dma_start3A_24 : memref<1x32xi32, #tpu.memory_space<vmem>> -> memref<32xi32, #tpu.memory_space<vmem>>
    %dma_start3A_26 = arith.constant 0 : i32
    %dma_start3A_27 = arith.constant 0 : i32
    %dma_start3A_28 = tpu.memref_slice %arg2[%select_n3A_11, %dma_start3A_26, %dma_start3A_27] : memref<16x256x1024xf32, #tpu.memory_space<hbm>> -> memref<1x256x1024xf32, #tpu.memory_space<hbm>>
    %dma_start3A_29 = tpu.memref_squeeze %dma_start3A_28 : memref<1x256x1024xf32, #tpu.memory_space<hbm>> -> memref<256x1024xf32, #tpu.memory_space<hbm>>
    %dma_start3A_30 = arith.constant 0 : i32
    %dma_start3A_31 = arith.constant 0 : i32
    %dma_start3A_32 = tpu.memref_slice %dma_start3A_29[%dma_start3A_30, %dma_start3A_31] : memref<256x1024xf32, #tpu.memory_space<hbm>> -> memref<256x1024xf32, #tpu.memory_space<hbm>>
    tpu.enqueue_indirect_dma source(%dma_start3A_32 : memref<256x1024xf32, #tpu.memory_space<hbm>>) target(%arg7 : memref<32x1024xf32, #tpu.memory_space<vmem>>) offsets(%dma_start3A_25 : memref<32xi32, #tpu.memory_space<vmem>>) semaphore(%arg10 : memref<!tpu.dma_semaphore, #tpu.memory_space<semaphore_mem>>)
    %dma_wait3A = arith.constant 0 : i32
    %dma_wait3A_33 = arith.constant 0 : i32
    %dma_wait3A_34 = tpu.memref_slice %arg5[%dma_wait3A, %dma_wait3A_33] : memref<8x32xi32, #tpu.memory_space<vmem>> -> memref<1x32xi32, #tpu.memory_space<vmem>>
    %dma_wait3A_35 = tpu.memref_squeeze %dma_wait3A_34 : memref<1x32xi32, #tpu.memory_space<vmem>> -> memref<32xi32, #tpu.memory_space<vmem>>
    %dma_wait3A_36 = arith.constant 0 : i32
    %dma_wait3A_37 = arith.constant 0 : i32
    %dma_wait3A_38 = tpu.memref_slice %arg2[%select_n3A_11, %dma_wait3A_36, %dma_wait3A_37] : memref<16x256x1024xf32, #tpu.memory_space<hbm>> -> memref<1x256x1024xf32, #tpu.memory_space<hbm>>
    %dma_wait3A_39 = tpu.memref_squeeze %dma_wait3A_38 : memref<1x256x1024xf32, #tpu.memory_space<hbm>> -> memref<256x1024xf32, #tpu.memory_space<hbm>>
    %dma_wait3A_40 = arith.constant 0 : i32
    %dma_wait3A_41 = arith.constant 0 : i32
    %dma_wait3A_42 = tpu.memref_slice %dma_wait3A_39[%dma_wait3A_40, %dma_wait3A_41] : memref<256x1024xf32, #tpu.memory_space<hbm>> -> memref<256x1024xf32, #tpu.memory_space<hbm>>
    tpu.wait_indirect_dma semaphore(%arg9 : memref<!tpu.dma_semaphore, #tpu.memory_space<semaphore_mem>>) src(%dma_wait3A_42 : memref<256x1024xf32, #tpu.memory_space<hbm>>) dst(%arg6 : memref<32x1024xf32, #tpu.memory_space<vmem>>)
    %add3A_43 = arith.constant 0 : i32
    %add3A_44 = arith.addi %mul3A_2, %add3A_43 : i32
    %dma_start3A_45 = arith.constant 0 : i32
    %dma_start3A_46 = tpu.memref_slice %arg4[%add3A_44, %dma_start3A_45] : memref<8192x1024xf32, #tpu.memory_space<hbm>> -> memref<32x1024xf32, #tpu.memory_space<hbm>>
    %dma_start3A_47 = arith.constant 0 : i32
    %dma_start3A_48 = tpu.memref_slice %arg4[%add3A_44, %dma_start3A_47] : memref<8192x1024xf32, #tpu.memory_space<hbm>> -> memref<32x1024xf32, #tpu.memory_space<hbm>>
    tpu.enqueue_dma source(%arg6 : memref<32x1024xf32, #tpu.memory_space<vmem>>) target(%dma_start3A_48 : memref<32x1024xf32, #tpu.memory_space<hbm>>) target_semaphore(%arg12 : memref<!tpu.dma_semaphore, #tpu.memory_space<semaphore_mem>>)
    %dma_start3A_49 = arith.constant 2 : i32
    %dma_start3A_50 = arith.constant 0 : i32
    %dma_start3A_51 = tpu.memref_slice %arg5[%dma_start3A_49, %dma_start3A_50] : memref<8x32xi32, #tpu.memory_space<vmem>> -> memref<1x32xi32, #tpu.memory_space<vmem>>
    %dma_start3A_52 = tpu.memref_squeeze %dma_start3A_51 : memref<1x32xi32, #tpu.memory_space<vmem>> -> memref<32xi32, #tpu.memory_space<vmem>>
    %dma_start3A_53 = arith.constant 0 : i32
    %dma_start3A_54 = arith.constant 0 : i32
    %dma_start3A_55 = tpu.memref_slice %arg2[%select_n3A_11, %dma_start3A_53, %dma_start3A_54] : memref<16x256x1024xf32, #tpu.memory_space<hbm>> -> memref<1x256x1024xf32, #tpu.memory_space<hbm>>
    %dma_start3A_56 = tpu.memref_squeeze %dma_start3A_55 : memref<1x256x1024xf32, #tpu.memory_space<hbm>> -> memref<256x1024xf32, #tpu.memory_space<hbm>>
    %dma_start3A_57 = arith.constant 0 : i32
    %dma_start3A_58 = arith.constant 0 : i32
    %dma_start3A_59 = tpu.memref_slice %dma_start3A_56[%dma_start3A_57, %dma_start3A_58] : memref<256x1024xf32, #tpu.memory_space<hbm>> -> memref<256x1024xf32, #tpu.memory_space<hbm>>
    tpu.enqueue_indirect_dma source(%dma_start3A_59 : memref<256x1024xf32, #tpu.memory_space<hbm>>) target(%arg8 : memref<32x1024xf32, #tpu.memory_space<vmem>>) offsets(%dma_start3A_52 : memref<32xi32, #tpu.memory_space<vmem>>) semaphore(%arg11 : memref<!tpu.dma_semaphore, #tpu.memory_space<semaphore_mem>>)
    %dma_wait3A_60 = arith.constant 1 : i32
    %dma_wait3A_61 = arith.constant 0 : i32
    %dma_wait3A_62 = tpu.memref_slice %arg5[%dma_wait3A_60, %dma_wait3A_61] : memref<8x32xi32, #tpu.memory_space<vmem>> -> memref<1x32xi32, #tpu.memory_space<vmem>>
    %dma_wait3A_63 = tpu.memref_squeeze %dma_wait3A_62 : memref<1x32xi32, #tpu.memory_space<vmem>> -> memref<32xi32, #tpu.memory_space<vmem>>
    %dma_wait3A_64 = arith.constant 0 : i32
    %dma_wait3A_65 = arith.constant 0 : i32
    %dma_wait3A_66 = tpu.memref_slice %arg2[%select_n3A_11, %dma_wait3A_64, %dma_wait3A_65] : memref<16x256x1024xf32, #tpu.memory_space<hbm>> -> memref<1x256x1024xf32, #tpu.memory_space<hbm>>
    %dma_wait3A_67 = tpu.memref_squeeze %dma_wait3A_66 : memref<1x256x1024xf32, #tpu.memory_space<hbm>> -> memref<256x1024xf32, #tpu.memory_space<hbm>>
    %dma_wait3A_68 = arith.constant 0 : i32
    %dma_wait3A_69 = arith.constant 0 : i32
    %dma_wait3A_70 = tpu.memref_slice %dma_wait3A_67[%dma_wait3A_68, %dma_wait3A_69] : memref<256x1024xf32, #tpu.memory_space<hbm>> -> memref<256x1024xf32, #tpu.memory_space<hbm>>
    tpu.wait_indirect_dma semaphore(%arg10 : memref<!tpu.dma_semaphore, #tpu.memory_space<semaphore_mem>>) src(%dma_wait3A_70 : memref<256x1024xf32, #tpu.memory_space<hbm>>) dst(%arg7 : memref<32x1024xf32, #tpu.memory_space<vmem>>)
    %add3A_71 = arith.constant 32 : i32
    %add3A_72 = arith.addi %mul3A_2, %add3A_71 : i32
    %dma_start3A_73 = arith.constant 0 : i32
    %dma_start3A_74 = tpu.memref_slice %arg4[%add3A_72, %dma_start3A_73] : memref<8192x1024xf32, #tpu.memory_space<hbm>> -> memref<32x1024xf32, #tpu.memory_space<hbm>>
    %dma_start3A_75 = arith.constant 0 : i32
    %dma_start3A_76 = tpu.memref_slice %arg4[%add3A_72, %dma_start3A_75] : memref<8192x1024xf32, #tpu.memory_space<hbm>> -> memref<32x1024xf32, #tpu.memory_space<hbm>>
    tpu.enqueue_dma source(%arg7 : memref<32x1024xf32, #tpu.memory_space<vmem>>) target(%dma_start3A_76 : memref<32x1024xf32, #tpu.memory_space<hbm>>) target_semaphore(%arg13 : memref<!tpu.dma_semaphore, #tpu.memory_space<semaphore_mem>>)
    %dma_wait3A_77 = arith.constant 0 : i32
    %dma_wait3A_78 = tpu.memref_slice %arg4[%add3A_44, %dma_wait3A_77] : memref<8192x1024xf32, #tpu.memory_space<hbm>> -> memref<32x1024xf32, #tpu.memory_space<hbm>>
    %dma_wait3A_79 = arith.constant 0 : i32
    %dma_wait3A_80 = tpu.memref_slice %arg4[%add3A_44, %dma_wait3A_79] : memref<8192x1024xf32, #tpu.memory_space<hbm>> -> memref<32x1024xf32, #tpu.memory_space<hbm>>
    tpu.wait_dma2 semaphore(%arg12 : memref<!tpu.dma_semaphore, #tpu.memory_space<semaphore_mem>>) src(%arg6 : memref<32x1024xf32, #tpu.memory_space<vmem>>) dst(%dma_wait3A_80 : memref<32x1024xf32, #tpu.memory_space<hbm>>)
    %dma_start3A_81 = arith.constant 3 : i32
    %dma_start3A_82 = arith.constant 0 : i32
    %dma_start3A_83 = tpu.memref_slice %arg5[%dma_start3A_81, %dma_start3A_82] : memref<8x32xi32, #tpu.memory_space<vmem>> -> memref<1x32xi32, #tpu.memory_space<vmem>>
    %dma_start3A_84 = tpu.memref_squeeze %dma_start3A_83 : memref<1x32xi32, #tpu.memory_space<vmem>> -> memref<32xi32, #tpu.memory_space<vmem>>
    %dma_start3A_85 = arith.constant 0 : i32
    %dma_start3A_86 = arith.constant 0 : i32
    %dma_start3A_87 = tpu.memref_slice %arg2[%select_n3A_11, %dma_start3A_85, %dma_start3A_86] : memref<16x256x1024xf32, #tpu.memory_space<hbm>> -> memref<1x256x1024xf32, #tpu.memory_space<hbm>>
    %dma_start3A_88 = tpu.memref_squeeze %dma_start3A_87 : memref<1x256x1024xf32, #tpu.memory_space<hbm>> -> memref<256x1024xf32, #tpu.memory_space<hbm>>
    %dma_start3A_89 = arith.constant 0 : i32
    %dma_start3A_90 = arith.constant 0 : i32
    %dma_start3A_91 = tpu.memref_slice %dma_start3A_88[%dma_start3A_89, %dma_start3A_90] : memref<256x1024xf32, #tpu.memory_space<hbm>> -> memref<256x1024xf32, #tpu.memory_space<hbm>>
    tpu.enqueue_indirect_dma source(%dma_start3A_91 : memref<256x1024xf32, #tpu.memory_space<hbm>>) target(%arg6 : memref<32x1024xf32, #tpu.memory_space<vmem>>) offsets(%dma_start3A_84 : memref<32xi32, #tpu.memory_space<vmem>>) semaphore(%arg9 : memref<!tpu.dma_semaphore, #tpu.memory_space<semaphore_mem>>)
    %dma_wait3A_92 = arith.constant 2 : i32
    %dma_wait3A_93 = arith.constant 0 : i32
    %dma_wait3A_94 = tpu.memref_slice %arg5[%dma_wait3A_92, %dma_wait3A_93] : memref<8x32xi32, #tpu.memory_space<vmem>> -> memref<1x32xi32, #tpu.memory_space<vmem>>
    %dma_wait3A_95 = tpu.memref_squeeze %dma_wait3A_94 : memref<1x32xi32, #tpu.memory_space<vmem>> -> memref<32xi32, #tpu.memory_space<vmem>>
    %dma_wait3A_96 = arith.constant 0 : i32
    %dma_wait3A_97 = arith.constant 0 : i32
    %dma_wait3A_98 = tpu.memref_slice %arg2[%select_n3A_11, %dma_wait3A_96, %dma_wait3A_97] : memref<16x256x1024xf32, #tpu.memory_space<hbm>> -> memref<1x256x1024xf32, #tpu.memory_space<hbm>>
    %dma_wait3A_99 = tpu.memref_squeeze %dma_wait3A_98 : memref<1x256x1024xf32, #tpu.memory_space<hbm>> -> memref<256x1024xf32, #tpu.memory_space<hbm>>
    %dma_wait3A_100 = arith.constant 0 : i32
    %dma_wait3A_101 = arith.constant 0 : i32
    %dma_wait3A_102 = tpu.memref_slice %dma_wait3A_99[%dma_wait3A_100, %dma_wait3A_101] : memref<256x1024xf32, #tpu.memory_space<hbm>> -> memref<256x1024xf32, #tpu.memory_space<hbm>>
    tpu.wait_indirect_dma semaphore(%arg11 : memref<!tpu.dma_semaphore, #tpu.memory_space<semaphore_mem>>) src(%dma_wait3A_102 : memref<256x1024xf32, #tpu.memory_space<hbm>>) dst(%arg8 : memref<32x1024xf32, #tpu.memory_space<vmem>>)
    %add3A_103 = arith.constant 64 : i32
    %add3A_104 = arith.addi %mul3A_2, %add3A_103 : i32
    %dma_start3A_105 = arith.constant 0 : i32
    %dma_start3A_106 = tpu.memref_slice %arg4[%add3A_104, %dma_start3A_105] : memref<8192x1024xf32, #tpu.memory_space<hbm>> -> memref<32x1024xf32, #tpu.memory_space<hbm>>
    %dma_start3A_107 = arith.constant 0 : i32
    %dma_start3A_108 = tpu.memref_slice %arg4[%add3A_104, %dma_start3A_107] : memref<8192x1024xf32, #tpu.memory_space<hbm>> -> memref<32x1024xf32, #tpu.memory_space<hbm>>
    tpu.enqueue_dma source(%arg8 : memref<32x1024xf32, #tpu.memory_space<vmem>>) target(%dma_start3A_108 : memref<32x1024xf32, #tpu.memory_space<hbm>>) target_semaphore(%arg14 : memref<!tpu.dma_semaphore, #tpu.memory_space<semaphore_mem>>)
    %dma_wait3A_109 = arith.constant 0 : i32
    %dma_wait3A_110 = tpu.memref_slice %arg4[%add3A_72, %dma_wait3A_109] : memref<8192x1024xf32, #tpu.memory_space<hbm>> -> memref<32x1024xf32, #tpu.memory_space<hbm>>
    %dma_wait3A_111 = arith.constant 0 : i32
    %dma_wait3A_112 = tpu.memref_slice %arg4[%add3A_72, %dma_wait3A_111] : memref<8192x1024xf32, #tpu.memory_space<hbm>> -> memref<32x1024xf32, #tpu.memory_space<hbm>>
    tpu.wait_dma2 semaphore(%arg13 : memref<!tpu.dma_semaphore, #tpu.memory_space<semaphore_mem>>) src(%arg7 : memref<32x1024xf32, #tpu.memory_space<vmem>>) dst(%dma_wait3A_112 : memref<32x1024xf32, #tpu.memory_space<hbm>>)
    %dma_start3A_113 = arith.constant 4 : i32
    %dma_start3A_114 = arith.constant 0 : i32
    %dma_start3A_115 = tpu.memref_slice %arg5[%dma_start3A_113, %dma_start3A_114] : memref<8x32xi32, #tpu.memory_space<vmem>> -> memref<1x32xi32, #tpu.memory_space<vmem>>
    %dma_start3A_116 = tpu.memref_squeeze %dma_start3A_115 : memref<1x32xi32, #tpu.memory_space<vmem>> -> memref<32xi32, #tpu.memory_space<vmem>>
    %dma_start3A_117 = arith.constant 0 : i32
    %dma_start3A_118 = arith.constant 0 : i32
    %dma_start3A_119 = tpu.memref_slice %arg2[%select_n3A_11, %dma_start3A_117, %dma_start3A_118] : memref<16x256x1024xf32, #tpu.memory_space<hbm>> -> memref<1x256x1024xf32, #tpu.memory_space<hbm>>
    %dma_start3A_120 = tpu.memref_squeeze %dma_start3A_119 : memref<1x256x1024xf32, #tpu.memory_space<hbm>> -> memref<256x1024xf32, #tpu.memory_space<hbm>>
    %dma_start3A_121 = arith.constant 0 : i32
    %dma_start3A_122 = arith.constant 0 : i32
    %dma_start3A_123 = tpu.memref_slice %dma_start3A_120[%dma_start3A_121, %dma_start3A_122] : memref<256x1024xf32, #tpu.memory_space<hbm>> -> memref<256x1024xf32, #tpu.memory_space<hbm>>
    tpu.enqueue_indirect_dma source(%dma_start3A_123 : memref<256x1024xf32, #tpu.memory_space<hbm>>) target(%arg7 : memref<32x1024xf32, #tpu.memory_space<vmem>>) offsets(%dma_start3A_116 : memref<32xi32, #tpu.memory_space<vmem>>) semaphore(%arg10 : memref<!tpu.dma_semaphore, #tpu.memory_space<semaphore_mem>>)
    %dma_wait3A_124 = arith.constant 3 : i32
    %dma_wait3A_125 = arith.constant 0 : i32
    %dma_wait3A_126 = tpu.memref_slice %arg5[%dma_wait3A_124, %dma_wait3A_125] : memref<8x32xi32, #tpu.memory_space<vmem>> -> memref<1x32xi32, #tpu.memory_space<vmem>>
    %dma_wait3A_127 = tpu.memref_squeeze %dma_wait3A_126 : memref<1x32xi32, #tpu.memory_space<vmem>> -> memref<32xi32, #tpu.memory_space<vmem>>
    %dma_wait3A_128 = arith.constant 0 : i32
    %dma_wait3A_129 = arith.constant 0 : i32
    %dma_wait3A_130 = tpu.memref_slice %arg2[%select_n3A_11, %dma_wait3A_128, %dma_wait3A_129] : memref<16x256x1024xf32, #tpu.memory_space<hbm>> -> memref<1x256x1024xf32, #tpu.memory_space<hbm>>
    %dma_wait3A_131 = tpu.memref_squeeze %dma_wait3A_130 : memref<1x256x1024xf32, #tpu.memory_space<hbm>> -> memref<256x1024xf32, #tpu.memory_space<hbm>>
    %dma_wait3A_132 = arith.constant 0 : i32
    %dma_wait3A_133 = arith.constant 0 : i32
    %dma_wait3A_134 = tpu.memref_slice %dma_wait3A_131[%dma_wait3A_132, %dma_wait3A_133] : memref<256x1024xf32, #tpu.memory_space<hbm>> -> memref<256x1024xf32, #tpu.memory_space<hbm>>
    tpu.wait_indirect_dma semaphore(%arg9 : memref<!tpu.dma_semaphore, #tpu.memory_space<semaphore_mem>>) src(%dma_wait3A_134 : memref<256x1024xf32, #tpu.memory_space<hbm>>) dst(%arg6 : memref<32x1024xf32, #tpu.memory_space<vmem>>)
    %add3A_135 = arith.constant 96 : i32
    %add3A_136 = arith.addi %mul3A_2, %add3A_135 : i32
    %dma_start3A_137 = arith.constant 0 : i32
    %dma_start3A_138 = tpu.memref_slice %arg4[%add3A_136, %dma_start3A_137] : memref<8192x1024xf32, #tpu.memory_space<hbm>> -> memref<32x1024xf32, #tpu.memory_space<hbm>>
    %dma_start3A_139 = arith.constant 0 : i32
    %dma_start3A_140 = tpu.memref_slice %arg4[%add3A_136, %dma_start3A_139] : memref<8192x1024xf32, #tpu.memory_space<hbm>> -> memref<32x1024xf32, #tpu.memory_space<hbm>>
    tpu.enqueue_dma source(%arg6 : memref<32x1024xf32, #tpu.memory_space<vmem>>) target(%dma_start3A_140 : memref<32x1024xf32, #tpu.memory_space<hbm>>) target_semaphore(%arg12 : memref<!tpu.dma_semaphore, #tpu.memory_space<semaphore_mem>>)
    %dma_wait3A_141 = arith.constant 0 : i32
    %dma_wait3A_142 = tpu.memref_slice %arg4[%add3A_104, %dma_wait3A_141] : memref<8192x1024xf32, #tpu.memory_space<hbm>> -> memref<32x1024xf32, #tpu.memory_space<hbm>>
    %dma_wait3A_143 = arith.constant 0 : i32
    %dma_wait3A_144 = tpu.memref_slice %arg4[%add3A_104, %dma_wait3A_143] : memref<8192x1024xf32, #tpu.memory_space<hbm>> -> memref<32x1024xf32, #tpu.memory_space<hbm>>
    tpu.wait_dma2 semaphore(%arg14 : memref<!tpu.dma_semaphore, #tpu.memory_space<semaphore_mem>>) src(%arg8 : memref<32x1024xf32, #tpu.memory_space<vmem>>) dst(%dma_wait3A_144 : memref<32x1024xf32, #tpu.memory_space<hbm>>)
    %dma_start3A_145 = arith.constant 5 : i32
    %dma_start3A_146 = arith.constant 0 : i32
    %dma_start3A_147 = tpu.memref_slice %arg5[%dma_start3A_145, %dma_start3A_146] : memref<8x32xi32, #tpu.memory_space<vmem>> -> memref<1x32xi32, #tpu.memory_space<vmem>>
    %dma_start3A_148 = tpu.memref_squeeze %dma_start3A_147 : memref<1x32xi32, #tpu.memory_space<vmem>> -> memref<32xi32, #tpu.memory_space<vmem>>
    %dma_start3A_149 = arith.constant 0 : i32
    %dma_start3A_150 = arith.constant 0 : i32
    %dma_start3A_151 = tpu.memref_slice %arg2[%select_n3A_11, %dma_start3A_149, %dma_start3A_150] : memref<16x256x1024xf32, #tpu.memory_space<hbm>> -> memref<1x256x1024xf32, #tpu.memory_space<hbm>>
    %dma_start3A_152 = tpu.memref_squeeze %dma_start3A_151 : memref<1x256x1024xf32, #tpu.memory_space<hbm>> -> memref<256x1024xf32, #tpu.memory_space<hbm>>
    %dma_start3A_153 = arith.constant 0 : i32
    %dma_start3A_154 = arith.constant 0 : i32
    %dma_start3A_155 = tpu.memref_slice %dma_start3A_152[%dma_start3A_153, %dma_start3A_154] : memref<256x1024xf32, #tpu.memory_space<hbm>> -> memref<256x1024xf32, #tpu.memory_space<hbm>>
    tpu.enqueue_indirect_dma source(%dma_start3A_155 : memref<256x1024xf32, #tpu.memory_space<hbm>>) target(%arg8 : memref<32x1024xf32, #tpu.memory_space<vmem>>) offsets(%dma_start3A_148 : memref<32xi32, #tpu.memory_space<vmem>>) semaphore(%arg11 : memref<!tpu.dma_semaphore, #tpu.memory_space<semaphore_mem>>)
    %dma_wait3A_156 = arith.constant 4 : i32
    %dma_wait3A_157 = arith.constant 0 : i32
    %dma_wait3A_158 = tpu.memref_slice %arg5[%dma_wait3A_156, %dma_wait3A_157] : memref<8x32xi32, #tpu.memory_space<vmem>> -> memref<1x32xi32, #tpu.memory_space<vmem>>
    %dma_wait3A_159 = tpu.memref_squeeze %dma_wait3A_158 : memref<1x32xi32, #tpu.memory_space<vmem>> -> memref<32xi32, #tpu.memory_space<vmem>>
    %dma_wait3A_160 = arith.constant 0 : i32
    %dma_wait3A_161 = arith.constant 0 : i32
    %dma_wait3A_162 = tpu.memref_slice %arg2[%select_n3A_11, %dma_wait3A_160, %dma_wait3A_161] : memref<16x256x1024xf32, #tpu.memory_space<hbm>> -> memref<1x256x1024xf32, #tpu.memory_space<hbm>>
    %dma_wait3A_163 = tpu.memref_squeeze %dma_wait3A_162 : memref<1x256x1024xf32, #tpu.memory_space<hbm>> -> memref<256x1024xf32, #tpu.memory_space<hbm>>
    %dma_wait3A_164 = arith.constant 0 : i32
    %dma_wait3A_165 = arith.constant 0 : i32
    %dma_wait3A_166 = tpu.memref_slice %dma_wait3A_163[%dma_wait3A_164, %dma_wait3A_165] : memref<256x1024xf32, #tpu.memory_space<hbm>> -> memref<256x1024xf32, #tpu.memory_space<hbm>>
    tpu.wait_indirect_dma semaphore(%arg10 : memref<!tpu.dma_semaphore, #tpu.memory_space<semaphore_mem>>) src(%dma_wait3A_166 : memref<256x1024xf32, #tpu.memory_space<hbm>>) dst(%arg7 : memref<32x1024xf32, #tpu.memory_space<vmem>>)
    %add3A_167 = arith.constant 128 : i32
    %add3A_168 = arith.addi %mul3A_2, %add3A_167 : i32
    %dma_start3A_169 = arith.constant 0 : i32
    %dma_start3A_170 = tpu.memref_slice %arg4[%add3A_168, %dma_start3A_169] : memref<8192x1024xf32, #tpu.memory_space<hbm>> -> memref<32x1024xf32, #tpu.memory_space<hbm>>
    %dma_start3A_171 = arith.constant 0 : i32
    %dma_start3A_172 = tpu.memref_slice %arg4[%add3A_168, %dma_start3A_171] : memref<8192x1024xf32, #tpu.memory_space<hbm>> -> memref<32x1024xf32, #tpu.memory_space<hbm>>
    tpu.enqueue_dma source(%arg7 : memref<32x1024xf32, #tpu.memory_space<vmem>>) target(%dma_start3A_172 : memref<32x1024xf32, #tpu.memory_space<hbm>>) target_semaphore(%arg13 : memref<!tpu.dma_semaphore, #tpu.memory_space<semaphore_mem>>)
    %dma_wait3A_173 = arith.constant 0 : i32
    %dma_wait3A_174 = tpu.memref_slice %arg4[%add3A_136, %dma_wait3A_173] : memref<8192x1024xf32, #tpu.memory_space<hbm>> -> memref<32x1024xf32, #tpu.memory_space<hbm>>
    %dma_wait3A_175 = arith.constant 0 : i32
    %dma_wait3A_176 = tpu.memref_slice %arg4[%add3A_136, %dma_wait3A_175] : memref<8192x1024xf32, #tpu.memory_space<hbm>> -> memref<32x1024xf32, #tpu.memory_space<hbm>>
    tpu.wait_dma2 semaphore(%arg12 : memref<!tpu.dma_semaphore, #tpu.memory_space<semaphore_mem>>) src(%arg6 : memref<32x1024xf32, #tpu.memory_space<vmem>>) dst(%dma_wait3A_176 : memref<32x1024xf32, #tpu.memory_space<hbm>>)
    %dma_start3A_177 = arith.constant 6 : i32
    %dma_start3A_178 = arith.constant 0 : i32
    %dma_start3A_179 = tpu.memref_slice %arg5[%dma_start3A_177, %dma_start3A_178] : memref<8x32xi32, #tpu.memory_space<vmem>> -> memref<1x32xi32, #tpu.memory_space<vmem>>
    %dma_start3A_180 = tpu.memref_squeeze %dma_start3A_179 : memref<1x32xi32, #tpu.memory_space<vmem>> -> memref<32xi32, #tpu.memory_space<vmem>>
    %dma_start3A_181 = arith.constant 0 : i32
    %dma_start3A_182 = arith.constant 0 : i32
    %dma_start3A_183 = tpu.memref_slice %arg2[%select_n3A_11, %dma_start3A_181, %dma_start3A_182] : memref<16x256x1024xf32, #tpu.memory_space<hbm>> -> memref<1x256x1024xf32, #tpu.memory_space<hbm>>
    %dma_start3A_184 = tpu.memref_squeeze %dma_start3A_183 : memref<1x256x1024xf32, #tpu.memory_space<hbm>> -> memref<256x1024xf32, #tpu.memory_space<hbm>>
    %dma_start3A_185 = arith.constant 0 : i32
    %dma_start3A_186 = arith.constant 0 : i32
    %dma_start3A_187 = tpu.memref_slice %dma_start3A_184[%dma_start3A_185, %dma_start3A_186] : memref<256x1024xf32, #tpu.memory_space<hbm>> -> memref<256x1024xf32, #tpu.memory_space<hbm>>
    tpu.enqueue_indirect_dma source(%dma_start3A_187 : memref<256x1024xf32, #tpu.memory_space<hbm>>) target(%arg6 : memref<32x1024xf32, #tpu.memory_space<vmem>>) offsets(%dma_start3A_180 : memref<32xi32, #tpu.memory_space<vmem>>) semaphore(%arg9 : memref<!tpu.dma_semaphore, #tpu.memory_space<semaphore_mem>>)
    %dma_wait3A_188 = arith.constant 5 : i32
    %dma_wait3A_189 = arith.constant 0 : i32
    %dma_wait3A_190 = tpu.memref_slice %arg5[%dma_wait3A_188, %dma_wait3A_189] : memref<8x32xi32, #tpu.memory_space<vmem>> -> memref<1x32xi32, #tpu.memory_space<vmem>>
    %dma_wait3A_191 = tpu.memref_squeeze %dma_wait3A_190 : memref<1x32xi32, #tpu.memory_space<vmem>> -> memref<32xi32, #tpu.memory_space<vmem>>
    %dma_wait3A_192 = arith.constant 0 : i32
    %dma_wait3A_193 = arith.constant 0 : i32
    %dma_wait3A_194 = tpu.memref_slice %arg2[%select_n3A_11, %dma_wait3A_192, %dma_wait3A_193] : memref<16x256x1024xf32, #tpu.memory_space<hbm>> -> memref<1x256x1024xf32, #tpu.memory_space<hbm>>
    %dma_wait3A_195 = tpu.memref_squeeze %dma_wait3A_194 : memref<1x256x1024xf32, #tpu.memory_space<hbm>> -> memref<256x1024xf32, #tpu.memory_space<hbm>>
    %dma_wait3A_196 = arith.constant 0 : i32
    %dma_wait3A_197 = arith.constant 0 : i32
    %dma_wait3A_198 = tpu.memref_slice %dma_wait3A_195[%dma_wait3A_196, %dma_wait3A_197] : memref<256x1024xf32, #tpu.memory_space<hbm>> -> memref<256x1024xf32, #tpu.memory_space<hbm>>
    tpu.wait_indirect_dma semaphore(%arg11 : memref<!tpu.dma_semaphore, #tpu.memory_space<semaphore_mem>>) src(%dma_wait3A_198 : memref<256x1024xf32, #tpu.memory_space<hbm>>) dst(%arg8 : memref<32x1024xf32, #tpu.memory_space<vmem>>)
    %add3A_199 = arith.constant 160 : i32
    %add3A_200 = arith.addi %mul3A_2, %add3A_199 : i32
    %dma_start3A_201 = arith.constant 0 : i32
    %dma_start3A_202 = tpu.memref_slice %arg4[%add3A_200, %dma_start3A_201] : memref<8192x1024xf32, #tpu.memory_space<hbm>> -> memref<32x1024xf32, #tpu.memory_space<hbm>>
    %dma_start3A_203 = arith.constant 0 : i32
    %dma_start3A_204 = tpu.memref_slice %arg4[%add3A_200, %dma_start3A_203] : memref<8192x1024xf32, #tpu.memory_space<hbm>> -> memref<32x1024xf32, #tpu.memory_space<hbm>>
    tpu.enqueue_dma source(%arg8 : memref<32x1024xf32, #tpu.memory_space<vmem>>) target(%dma_start3A_204 : memref<32x1024xf32, #tpu.memory_space<hbm>>) target_semaphore(%arg14 : memref<!tpu.dma_semaphore, #tpu.memory_space<semaphore_mem>>)
    %dma_wait3A_205 = arith.constant 0 : i32
    %dma_wait3A_206 = tpu.memref_slice %arg4[%add3A_168, %dma_wait3A_205] : memref<8192x1024xf32, #tpu.memory_space<hbm>> -> memref<32x1024xf32, #tpu.memory_space<hbm>>
    %dma_wait3A_207 = arith.constant 0 : i32
    %dma_wait3A_208 = tpu.memref_slice %arg4[%add3A_168, %dma_wait3A_207] : memref<8192x1024xf32, #tpu.memory_space<hbm>> -> memref<32x1024xf32, #tpu.memory_space<hbm>>
    tpu.wait_dma2 semaphore(%arg13 : memref<!tpu.dma_semaphore, #tpu.memory_space<semaphore_mem>>) src(%arg7 : memref<32x1024xf32, #tpu.memory_space<vmem>>) dst(%dma_wait3A_208 : memref<32x1024xf32, #tpu.memory_space<hbm>>)
    %dma_start3A_209 = arith.constant 7 : i32
    %dma_start3A_210 = arith.constant 0 : i32
    %dma_start3A_211 = tpu.memref_slice %arg5[%dma_start3A_209, %dma_start3A_210] : memref<8x32xi32, #tpu.memory_space<vmem>> -> memref<1x32xi32, #tpu.memory_space<vmem>>
    %dma_start3A_212 = tpu.memref_squeeze %dma_start3A_211 : memref<1x32xi32, #tpu.memory_space<vmem>> -> memref<32xi32, #tpu.memory_space<vmem>>
    %dma_start3A_213 = arith.constant 0 : i32
    %dma_start3A_214 = arith.constant 0 : i32
    %dma_start3A_215 = tpu.memref_slice %arg2[%select_n3A_11, %dma_start3A_213, %dma_start3A_214] : memref<16x256x1024xf32, #tpu.memory_space<hbm>> -> memref<1x256x1024xf32, #tpu.memory_space<hbm>>
    %dma_start3A_216 = tpu.memref_squeeze %dma_start3A_215 : memref<1x256x1024xf32, #tpu.memory_space<hbm>> -> memref<256x1024xf32, #tpu.memory_space<hbm>>
    %dma_start3A_217 = arith.constant 0 : i32
    %dma_start3A_218 = arith.constant 0 : i32
    %dma_start3A_219 = tpu.memref_slice %dma_start3A_216[%dma_start3A_217, %dma_start3A_218] : memref<256x1024xf32, #tpu.memory_space<hbm>> -> memref<256x1024xf32, #tpu.memory_space<hbm>>
    tpu.enqueue_indirect_dma source(%dma_start3A_219 : memref<256x1024xf32, #tpu.memory_space<hbm>>) target(%arg7 : memref<32x1024xf32, #tpu.memory_space<vmem>>) offsets(%dma_start3A_212 : memref<32xi32, #tpu.memory_space<vmem>>) semaphore(%arg10 : memref<!tpu.dma_semaphore, #tpu.memory_space<semaphore_mem>>)
    %dma_wait3A_220 = arith.constant 6 : i32
    %dma_wait3A_221 = arith.constant 0 : i32
    %dma_wait3A_222 = tpu.memref_slice %arg5[%dma_wait3A_220, %dma_wait3A_221] : memref<8x32xi32, #tpu.memory_space<vmem>> -> memref<1x32xi32, #tpu.memory_space<vmem>>
    %dma_wait3A_223 = tpu.memref_squeeze %dma_wait3A_222 : memref<1x32xi32, #tpu.memory_space<vmem>> -> memref<32xi32, #tpu.memory_space<vmem>>
    %dma_wait3A_224 = arith.constant 0 : i32
    %dma_wait3A_225 = arith.constant 0 : i32
    %dma_wait3A_226 = tpu.memref_slice %arg2[%select_n3A_11, %dma_wait3A_224, %dma_wait3A_225] : memref<16x256x1024xf32, #tpu.memory_space<hbm>> -> memref<1x256x1024xf32, #tpu.memory_space<hbm>>
    %dma_wait3A_227 = tpu.memref_squeeze %dma_wait3A_226 : memref<1x256x1024xf32, #tpu.memory_space<hbm>> -> memref<256x1024xf32, #tpu.memory_space<hbm>>
    %dma_wait3A_228 = arith.constant 0 : i32
    %dma_wait3A_229 = arith.constant 0 : i32
    %dma_wait3A_230 = tpu.memref_slice %dma_wait3A_227[%dma_wait3A_228, %dma_wait3A_229] : memref<256x1024xf32, #tpu.memory_space<hbm>> -> memref<256x1024xf32, #tpu.memory_space<hbm>>
    tpu.wait_indirect_dma semaphore(%arg9 : memref<!tpu.dma_semaphore, #tpu.memory_space<semaphore_mem>>) src(%dma_wait3A_230 : memref<256x1024xf32, #tpu.memory_space<hbm>>) dst(%arg6 : memref<32x1024xf32, #tpu.memory_space<vmem>>)
    %add3A_231 = arith.constant 192 : i32
    %add3A_232 = arith.addi %mul3A_2, %add3A_231 : i32
    %dma_start3A_233 = arith.constant 0 : i32
    %dma_start3A_234 = tpu.memref_slice %arg4[%add3A_232, %dma_start3A_233] : memref<8192x1024xf32, #tpu.memory_space<hbm>> -> memref<32x1024xf32, #tpu.memory_space<hbm>>
    %dma_start3A_235 = arith.constant 0 : i32
    %dma_start3A_236 = tpu.memref_slice %arg4[%add3A_232, %dma_start3A_235] : memref<8192x1024xf32, #tpu.memory_space<hbm>> -> memref<32x1024xf32, #tpu.memory_space<hbm>>
    tpu.enqueue_dma source(%arg6 : memref<32x1024xf32, #tpu.memory_space<vmem>>) target(%dma_start3A_236 : memref<32x1024xf32, #tpu.memory_space<hbm>>) target_semaphore(%arg12 : memref<!tpu.dma_semaphore, #tpu.memory_space<semaphore_mem>>)
    %dma_wait3A_237 = arith.constant 7 : i32
    %dma_wait3A_238 = arith.constant 0 : i32
    %dma_wait3A_239 = tpu.memref_slice %arg5[%dma_wait3A_237, %dma_wait3A_238] : memref<8x32xi32, #tpu.memory_space<vmem>> -> memref<1x32xi32, #tpu.memory_space<vmem>>
    %dma_wait3A_240 = tpu.memref_squeeze %dma_wait3A_239 : memref<1x32xi32, #tpu.memory_space<vmem>> -> memref<32xi32, #tpu.memory_space<vmem>>
    %dma_wait3A_241 = arith.constant 0 : i32
    %dma_wait3A_242 = arith.constant 0 : i32
    %dma_wait3A_243 = tpu.memref_slice %arg2[%select_n3A_11, %dma_wait3A_241, %dma_wait3A_242] : memref<16x256x1024xf32, #tpu.memory_space<hbm>> -> memref<1x256x1024xf32, #tpu.memory_space<hbm>>
    %dma_wait3A_244 = tpu.memref_squeeze %dma_wait3A_243 : memref<1x256x1024xf32, #tpu.memory_space<hbm>> -> memref<256x1024xf32, #tpu.memory_space<hbm>>
    %dma_wait3A_245 = arith.constant 0 : i32
    %dma_wait3A_246 = arith.constant 0 : i32
    %dma_wait3A_247 = tpu.memref_slice %dma_wait3A_244[%dma_wait3A_245, %dma_wait3A_246] : memref<256x1024xf32, #tpu.memory_space<hbm>> -> memref<256x1024xf32, #tpu.memory_space<hbm>>
    tpu.wait_indirect_dma semaphore(%arg10 : memref<!tpu.dma_semaphore, #tpu.memory_space<semaphore_mem>>) src(%dma_wait3A_247 : memref<256x1024xf32, #tpu.memory_space<hbm>>) dst(%arg7 : memref<32x1024xf32, #tpu.memory_space<vmem>>)
    %add3A_248 = arith.constant 224 : i32
    %add3A_249 = arith.addi %mul3A_2, %add3A_248 : i32
    %dma_start3A_250 = arith.constant 0 : i32
    %dma_start3A_251 = tpu.memref_slice %arg4[%add3A_249, %dma_start3A_250] : memref<8192x1024xf32, #tpu.memory_space<hbm>> -> memref<32x1024xf32, #tpu.memory_space<hbm>>
    %dma_start3A_252 = arith.constant 0 : i32
    %dma_start3A_253 = tpu.memref_slice %arg4[%add3A_249, %dma_start3A_252] : memref<8192x1024xf32, #tpu.memory_space<hbm>> -> memref<32x1024xf32, #tpu.memory_space<hbm>>
    tpu.enqueue_dma source(%arg7 : memref<32x1024xf32, #tpu.memory_space<vmem>>) target(%dma_start3A_253 : memref<32x1024xf32, #tpu.memory_space<hbm>>) target_semaphore(%arg13 : memref<!tpu.dma_semaphore, #tpu.memory_space<semaphore_mem>>)
    %dma_wait3A_254 = arith.constant 0 : i32
    %dma_wait3A_255 = tpu.memref_slice %arg4[%add3A_200, %dma_wait3A_254] : memref<8192x1024xf32, #tpu.memory_space<hbm>> -> memref<32x1024xf32, #tpu.memory_space<hbm>>
    %dma_wait3A_256 = arith.constant 0 : i32
    %dma_wait3A_257 = tpu.memref_slice %arg4[%add3A_200, %dma_wait3A_256] : memref<8192x1024xf32, #tpu.memory_space<hbm>> -> memref<32x1024xf32, #tpu.memory_space<hbm>>
    tpu.wait_dma2 semaphore(%arg14 : memref<!tpu.dma_semaphore, #tpu.memory_space<semaphore_mem>>) src(%arg8 : memref<32x1024xf32, #tpu.memory_space<vmem>>) dst(%dma_wait3A_257 : memref<32x1024xf32, #tpu.memory_space<hbm>>)
    %dma_wait3A_258 = arith.constant 0 : i32
    %dma_wait3A_259 = tpu.memref_slice %arg4[%add3A_232, %dma_wait3A_258] : memref<8192x1024xf32, #tpu.memory_space<hbm>> -> memref<32x1024xf32, #tpu.memory_space<hbm>>
    %dma_wait3A_260 = arith.constant 0 : i32
    %dma_wait3A_261 = tpu.memref_slice %arg4[%add3A_232, %dma_wait3A_260] : memref<8192x1024xf32, #tpu.memory_space<hbm>> -> memref<32x1024xf32, #tpu.memory_space<hbm>>
    tpu.wait_dma2 semaphore(%arg12 : memref<!tpu.dma_semaphore, #tpu.memory_space<semaphore_mem>>) src(%arg6 : memref<32x1024xf32, #tpu.memory_space<vmem>>) dst(%dma_wait3A_261 : memref<32x1024xf32, #tpu.memory_space<hbm>>)
    %dma_wait3A_262 = arith.constant 0 : i32
    %dma_wait3A_263 = tpu.memref_slice %arg4[%add3A_249, %dma_wait3A_262] : memref<8192x1024xf32, #tpu.memory_space<hbm>> -> memref<32x1024xf32, #tpu.memory_space<hbm>>
    %dma_wait3A_264 = arith.constant 0 : i32
    %dma_wait3A_265 = tpu.memref_slice %arg4[%add3A_249, %dma_wait3A_264] : memref<8192x1024xf32, #tpu.memory_space<hbm>> -> memref<32x1024xf32, #tpu.memory_space<hbm>>
    tpu.wait_dma2 semaphore(%arg13 : memref<!tpu.dma_semaphore, #tpu.memory_space<semaphore_mem>>) src(%arg7 : memref<32x1024xf32, #tpu.memory_space<vmem>>) dst(%dma_wait3A_265 : memref<32x1024xf32, #tpu.memory_space<hbm>>)
    return
  }
}

module attributes {stable_mosaic.version = 14 : i64} {
  func.func @_vq_body(%arg0: i32, %arg1: memref<1x512x32x32xf32, #tpu.memory_space<vmem>>, %arg2: memref<1024x256xf32, #tpu.memory_space<vmem>>, %arg3: memref<1x256xf32, #tpu.memory_space<vmem>>, %arg4: memref<512x256xf32, #tpu.memory_space<vmem>>, %arg5: memref<1x1x512xi32, #tpu.memory_space<vmem>>, %arg6: memref<1x1x512xf32, #tpu.memory_space<vmem>>, %arg7: memref<8x256xf32, #tpu.memory_space<vmem>>) attributes {dimension_semantics = [#tpu.dimension_semantics<arbitrary>], iteration_bounds = array<i64: 16>, scalar_prefetch = 0 : i64, scratch_operands = 0 : i64, tpu.core_type = #tpu.core_type<tc>, window_params = [{transform_indices = @transform_0, window_bounds = array<i64: 1, 512, 32, 32>}, {pipeline_mode = #tpu.pipeline_mode<synchronous>, transform_indices = @transform_1, window_bounds = array<i64: 1024, 256>}, {pipeline_mode = #tpu.pipeline_mode<synchronous>, transform_indices = @transform_2, window_bounds = array<i64: 1, 256>}, {transform_indices = @transform_3, window_bounds = array<i64: 512, 256>}, {transform_indices = @transform_4, window_bounds = array<i64: 1, 1, 512>}, {transform_indices = @transform_5, window_bounds = array<i64: 1, 1, 512>}, {pipeline_mode = #tpu.pipeline_mode<synchronous>, transform_indices = @transform_6, window_bounds = array<i64: 8, 256>}]} {
    %get3A = arith.constant 0 : index
    %get3A_0 = arith.constant 0 : index
    %get3A_1 = arith.constant 0 : index
    %get3A_2 = arith.constant 0 : index
    %get3A_3 = vector.load %arg1[%get3A, %get3A_0, %get3A_1, %get3A_2] : memref<1x512x32x32xf32, #tpu.memory_space<vmem>>, vector<1x512x32x32xf32>
    %get3A_4 = vector.shape_cast %get3A_3 : vector<1x512x32x32xf32> to vector<512x32x32xf32>
    %reshape3A = vector.shape_cast %get3A_4 : vector<512x32x32xf32> to vector<512x1024xf32>
    %transpose3A = tpu.transpose %reshape3A, [1, 0] : vector<512x1024xf32> -> vector<1024x512xf32>
    %reshape3A_5 = vector.shape_cast %transpose3A : vector<1024x512xf32> to vector<512x1024xf32>
    %get3A_6 = arith.constant 0 : index
    %get3A_7 = arith.constant 0 : index
    %get3A_8 = vector.load %arg2[%get3A_6, %get3A_7] : memref<1024x256xf32, #tpu.memory_space<vmem>>, vector<1024x256xf32>
    %dot_general3A = arith.constant dense<0.000000e+00> : vector<512x256xf32>
    %dot_general3A_9 = tpu.matmul %reshape3A_5, %get3A_8, %dot_general3A {dimension_numbers = #tpu.dot_dimension_numbers<[1], [0], [0], [1], [0, 0, 1, 1], [], []>, transpose_lhs_hint = false} : vector<512x1024xf32>, vector<1024x256xf32>, vector<512x256xf32> -> vector<512x256xf32>
    %mul3A = arith.mulf %reshape3A_5, %reshape3A_5 : vector<512x1024xf32>
    %reduce_sum3A = arith.constant dense<0.000000e+00> : vector<512xf32>
    %reduce_sum3A_10 = vector.multi_reduction <add>, %mul3A, %reduce_sum3A [1] : vector<512x1024xf32> to vector<512xf32>
    %broadcast_in_dim3A = vector.shape_cast %reduce_sum3A_10 : vector<512xf32> to vector<512x1xf32>
    %get3A_11 = arith.constant 0 : index
    %get3A_12 = arith.constant 0 : index
    %get3A_13 = vector.load %arg3[%get3A_11, %get3A_12] : memref<1x256xf32, #tpu.memory_space<vmem>>, vector<1x256xf32>
    %add3A = vector.broadcast %broadcast_in_dim3A : vector<512x1xf32> to vector<512x256xf32>
    %add3A_14 = vector.broadcast %get3A_13 : vector<1x256xf32> to vector<512x256xf32>
    %add3A_15 = arith.addf %add3A, %add3A_14 : vector<512x256xf32>
    %mul3A_16 = arith.constant 2.000000e+00 : f32
    %mul3A_17 = vector.broadcast %mul3A_16 : f32 to vector<512x256xf32>
    %mul3A_18 = arith.mulf %mul3A_17, %dot_general3A_9 : vector<512x256xf32>
    %sub3A = arith.subf %add3A_15, %mul3A_18 : vector<512x256xf32>
    %reduce_min3A = arith.constant dense<0x7F800000> : vector<512xf32>
    %reduce_min3A_19 = vector.multi_reduction <minimumf>, %sub3A, %reduce_min3A [1] : vector<512x256xf32> to vector<512xf32>
    %broadcast_in_dim3A_20 = vector.shape_cast %reduce_min3A_19 : vector<512xf32> to vector<512x1xf32>
    %iota3A = tpu.iota {dimensions = array<i32: 1>} : vector<512x256xi32>
    %eq3A = vector.broadcast %broadcast_in_dim3A_20 : vector<512x1xf32> to vector<512x256xf32>
    %eq3A_21 = arith.cmpf oeq, %sub3A, %eq3A : vector<512x256xf32>
    %jit3A = arith.constant 256 : i32
    %broadcast_in_dim3A_22 = vector.broadcast %jit3A : i32 to vector<512x256xi32>
    %select_n3A = arith.select %eq3A_21, %iota3A, %broadcast_in_dim3A_22 : vector<512x256xi1>, vector<512x256xi32>
    %reduce_min3A_23 = arith.constant dense<2147483647> : vector<512xi32>
    %reduce_min3A_24 = vector.multi_reduction <minsi>, %select_n3A, %reduce_min3A_23 [1] : vector<512x256xi32> to vector<512xi32>
    %broadcast_in_dim3A_25 = vector.shape_cast %reduce_min3A_24 : vector<512xi32> to vector<512x1xi32>
    %eq3A_26 = vector.broadcast %broadcast_in_dim3A_25 : vector<512x1xi32> to vector<512x256xi32>
    %eq3A_27 = arith.cmpi eq, %iota3A, %eq3A_26 : vector<512x256xi32>
    %convert_element_type3A = arith.extui %eq3A_27 : vector<512x256xi1> to vector<512x256xi32>
    %convert_element_type3A_28 = arith.sitofp %convert_element_type3A : vector<512x256xi32> to vector<512x256xf32>
    %swap3A = arith.constant 0 : index
    %swap3A_29 = arith.constant 0 : index
    %swap3A_30 = vector.load %arg4[%swap3A, %swap3A_29] : memref<512x256xf32, #tpu.memory_space<vmem>>, vector<512x256xf32>
    tpu.vector_store %arg4[%swap3A, %swap3A_29], %convert_element_type3A_28 {strides = array<i32>} : memref<512x256xf32, #tpu.memory_space<vmem>>, vector<512x256xf32>,
    %swap3A_31 = arith.constant 0 : index
    %swap3A_32 = arith.constant 0 : index
    %swap3A_33 = arith.constant 0 : index
    %swap3A_34 = vector.load %arg5[%swap3A_31, %swap3A_32, %swap3A_33] : memref<1x1x512xi32, #tpu.memory_space<vmem>>, vector<1x1x512xi32>
    %swap3A_35 = vector.shape_cast %swap3A_34 : vector<1x1x512xi32> to vector<512xi32>
    %swap3A_36 = vector.shape_cast %reduce_min3A_24 : vector<512xi32> to vector<1x1x512xi32>
    tpu.vector_store %arg5[%swap3A_31, %swap3A_32, %swap3A_33], %swap3A_36 {strides = array<i32>} : memref<1x1x512xi32, #tpu.memory_space<vmem>>, vector<1x1x512xi32>,
    %squeeze3A = vector.shape_cast %broadcast_in_dim3A_20 : vector<512x1xf32> to vector<512xf32>
    %swap3A_37 = arith.constant 0 : index
    %swap3A_38 = arith.constant 0 : index
    %swap3A_39 = arith.constant 0 : index
    %swap3A_40 = vector.load %arg6[%swap3A_37, %swap3A_38, %swap3A_39] : memref<1x1x512xf32, #tpu.memory_space<vmem>>, vector<1x1x512xf32>
    %swap3A_41 = vector.shape_cast %swap3A_40 : vector<1x1x512xf32> to vector<512xf32>
    %swap3A_42 = vector.shape_cast %squeeze3A : vector<512xf32> to vector<1x1x512xf32>
    tpu.vector_store %arg6[%swap3A_37, %swap3A_38, %swap3A_39], %swap3A_42 {strides = array<i32>} : memref<1x1x512xf32, #tpu.memory_space<vmem>>, vector<1x1x512xf32>,
    %iota3A_43 = tpu.iota {dimensions = array<i32: 0>} : vector<8x256xi32>
    %eq3A_44 = arith.constant 0 : i32
    %eq3A_45 = vector.broadcast %eq3A_44 : i32 to vector<8x256xi32>
    %eq3A_46 = arith.cmpi eq, %iota3A_43, %eq3A_45 : vector<8x256xi32>
    %reduce_sum3A_47 = arith.constant dense<0.000000e+00> : vector<256xf32>
    %reduce_sum3A_48 = vector.multi_reduction <add>, %convert_element_type3A_28, %reduce_sum3A_47 [0] : vector<512x256xf32> to vector<256xf32>
    %broadcast_in_dim3A_49 = vector.shape_cast %reduce_sum3A_48 : vector<256xf32> to vector<1x256xf32>
    %broadcast_in_dim3A_50 = vector.shape_cast %broadcast_in_dim3A_49 : vector<1x256xf32> to vector<1x256xf32>
    %broadcast_in_dim3A_51 = vector.broadcast %broadcast_in_dim3A_50 : vector<1x256xf32> to vector<8x256xf32>
    %jit3A_52 = arith.constant 0.000000e+00 : f32
    %broadcast_in_dim3A_53 = vector.broadcast %jit3A_52 : f32 to vector<8x256xf32>
    %select_n3A_54 = arith.select %eq3A_46, %broadcast_in_dim3A_51, %broadcast_in_dim3A_53 : vector<8x256xi1>, vector<8x256xf32>
    %eq3A_55 = arith.constant 0 : i32
    %eq3A_56 = arith.cmpi eq, %arg0, %eq3A_55 : i32
    %convert_element_type3A_57 = arith.extui %eq3A_56 : i1 to i32
    %cond3A = arith.constant 0 : i32
    %cond3A_58 = arith.cmpi ne, %convert_element_type3A_57, %cond3A : i32
    scf.if %cond3A_58 {
      %swap3A_63 = arith.constant 0 : index
      %swap3A_64 = arith.constant 0 : index
      %swap3A_65 = vector.load %arg7[%swap3A_63, %swap3A_64] : memref<8x256xf32, #tpu.memory_space<vmem>>, vector<8x256xf32>
      tpu.vector_store %arg7[%swap3A_63, %swap3A_64], %select_n3A_54 {strides = array<i32>} : memref<8x256xf32, #tpu.memory_space<vmem>>, vector<8x256xf32>,
    } else {
    }
    %ne3A = arith.constant 0 : i32
    %ne3A_59 = arith.cmpi ne, %arg0, %ne3A : i32
    %convert_element_type3A_60 = arith.extui %ne3A_59 : i1 to i32
    %cond3A_61 = arith.constant 0 : i32
    %cond3A_62 = arith.cmpi ne, %convert_element_type3A_60, %cond3A_61 : i32
    scf.if %cond3A_62 {
      %get3A_63 = arith.constant 0 : index
      %get3A_64 = arith.constant 0 : index
      %get3A_65 = vector.load %arg7[%get3A_63, %get3A_64] : memref<8x256xf32, #tpu.memory_space<vmem>>, vector<8x256xf32>
      %add3A_66 = arith.addf %get3A_65, %select_n3A_54 : vector<8x256xf32>
      %swap3A_67 = arith.constant 0 : index
      %swap3A_68 = arith.constant 0 : index
      %swap3A_69 = vector.load %arg7[%swap3A_67, %swap3A_68] : memref<8x256xf32, #tpu.memory_space<vmem>>, vector<8x256xf32>
      tpu.vector_store %arg7[%swap3A_67, %swap3A_68], %add3A_66 {strides = array<i32>} : memref<8x256xf32, #tpu.memory_space<vmem>>, vector<8x256xf32>,
    } else {
    }
    return
  }
  func.func @transform_0(%arg0: i32) -> (i32, i32, i32, i32) {
    %c0_i32 = arith.constant 0 : i32
    %c0_i32_0 = arith.constant 0 : i32
    %c0_i32_1 = arith.constant 0 : i32
    %c0_i32_2 = arith.constant 0 : i32
    return %arg0, %c0_i32, %c0_i32_0, %c0_i32_1 : i32, i32, i32, i32
  }
  func.func @transform_1(%arg0: i32) -> (i32, i32) {
    %c0_i32 = arith.constant 0 : i32
    %c0_i32_0 = arith.constant 0 : i32
    %c0_i32_1 = arith.constant 0 : i32
    return %c0_i32, %c0_i32_0 : i32, i32
  }
  func.func @transform_2(%arg0: i32) -> (i32, i32) {
    %c0_i32 = arith.constant 0 : i32
    %c0_i32_0 = arith.constant 0 : i32
    %c0_i32_1 = arith.constant 0 : i32
    return %c0_i32, %c0_i32_0 : i32, i32
  }
  func.func @transform_3(%arg0: i32) -> (i32, i32) {
    %c0_i32 = arith.constant 0 : i32
    %c0_i32_0 = arith.constant 0 : i32
    return %arg0, %c0_i32 : i32, i32
  }
  func.func @transform_4(%arg0: i32) -> (i32, i32, i32) {
    %c0_i32 = arith.constant 0 : i32
    %c0_i32_0 = arith.constant 0 : i32
    %c0_i32_1 = arith.constant 0 : i32
    return %arg0, %c0_i32, %c0_i32_0 : i32, i32, i32
  }
  func.func @transform_5(%arg0: i32) -> (i32, i32, i32) {
    %c0_i32 = arith.constant 0 : i32
    %c0_i32_0 = arith.constant 0 : i32
    %c0_i32_1 = arith.constant 0 : i32
    return %arg0, %c0_i32, %c0_i32_0 : i32, i32, i32
  }
  func.func @transform_6(%arg0: i32) -> (i32, i32) {
    %c0_i32 = arith.constant 0 : i32
    %c0_i32_0 = arith.constant 0 : i32
    %c0_i32_1 = arith.constant 0 : i32
    return %c0_i32, %c0_i32_0 : i32, i32
  }
}

module attributes {stable_mosaic.version = 14 : i64} {
  func.func @_conv_body(%arg0: memref<512x512xf32, #tpu.memory_space<vmem>>, %arg1: memref<512x512xf32, #tpu.memory_space<vmem>>, %arg2: memref<1x512xf32, #tpu.memory_space<vmem>>, %arg3: memref<512x512xf32, #tpu.memory_space<vmem>>) attributes {dimension_semantics = [], scalar_prefetch = 0 : i64, scratch_operands = 0 : i64, tpu.core_type = #tpu.core_type<tc>} {
    %get3A = arith.constant 0 : index
    %get3A_0 = arith.constant 0 : index
    %get3A_1 = vector.load %arg0[%get3A, %get3A_0] : memref<512x512xf32, #tpu.memory_space<vmem>>, vector<512x512xf32>
    %get3A_2 = arith.constant 0 : index
    %get3A_3 = arith.constant 0 : index
    %get3A_4 = vector.load %arg1[%get3A_2, %get3A_3] : memref<512x512xf32, #tpu.memory_space<vmem>>, vector<512x512xf32>
    %dot_general3A = arith.constant dense<0.000000e+00> : vector<512x512xf32>
    %dot_general3A_5 = tpu.matmul %get3A_1, %get3A_4, %dot_general3A {dimension_numbers = #tpu.dot_dimension_numbers<[1], [0], [0], [1], [0, 0, 1, 1], [], []>, transpose_lhs_hint = false} : vector<512x512xf32>, vector<512x512xf32>, vector<512x512xf32> -> vector<512x512xf32>
    %get3A_6 = arith.constant 0 : index
    %get3A_7 = arith.constant 0 : index
    %get3A_8 = vector.load %arg2[%get3A_6, %get3A_7] : memref<1x512xf32, #tpu.memory_space<vmem>>, vector<1x512xf32>
    %add3A = vector.broadcast %get3A_8 : vector<1x512xf32> to vector<512x512xf32>
    %add3A_9 = arith.addf %dot_general3A_5, %add3A : vector<512x512xf32>
    %swap3A = arith.constant 0 : index
    %swap3A_10 = arith.constant 0 : index
    %swap3A_11 = vector.load %arg3[%swap3A, %swap3A_10] : memref<512x512xf32, #tpu.memory_space<vmem>>, vector<512x512xf32>
    tpu.vector_store %arg3[%swap3A, %swap3A_10], %add3A_9 {strides = array<i32>} : memref<512x512xf32, #tpu.memory_space<vmem>>, vector<512x512xf32>,
    return
  }
}

</mosaic_0001>

<sc_bundles>
// kernel: kernel.5.cloned.1.call-start
scs
__scs_entry_jumppad:
0x0: {  	(pc) =	sbr.rel $0x88, $3  }
0x1: {  	(tag) =	ssettag $0x0;
	lr =	simm.s32 $0x1  }
0x2: {  	[smem:$0x3F9D] =	sst lr;
	_ =	strace $0xD0000000  }
0x3: {  	_ = 	snop  }
0x4: {  	_ = 	snop  }
0x5: {  	_ = 	snop  }
0x6: {  	_ = 	snop  }
0x7: {  	_ = 	snop  }
__scs_overlays_trampoline_lowered:
0x8: {  	[smem:$0x3FAC] =	sst s0  }
0x9: {  	[smem:$0x3FAD] =	sst s1  }
0xa: {  	[smem:$0x3FAE] =	sst s2  }
0xb: {  	[smem:$0x3FAF] =	sst s3  }
0xc: {  	[smem:$0x3FB0] =	sst s4  }
0xd: {  	[smem:$0x3FB1] =	sst s5  }
0xe: {  	[smem:$0x3FB2] =	sst s6  }
0xf: {  	[smem:$0x3FB3] =	sst s7  }
0x10: {  	[smem:$0x3FB4] =	sst s8  }
0x11: {  	[smem:$0x3FB5] =	sst s9;
	s0 =	simm.s32 @!p0 $0x0  }
0x12: {  	s1 =	sld [smem:$0x3F9B];
	s0 =	simm.s32 @p0 $0x1  }
0x13: {  	[smem:$0x3FB6] =	sst s0;
	s0 =	simm.s32 @!p1 $0x0  }
0x14: {  	s2 =	sld [smem:$0x3F9A];
	s0 =	simm.s32 @p1 $0x1  }
0x15: {  	[smem:$0x3FB7] =	sst s0;
	s0 =	simm.s32 @!p2 $0x0  }
0x16: {  	s3 =	sld [smem:$0x3FDB];
	s0 =	simm.s32 @p2 $0x1  }
0x17: {  	s4 =	simm.s32 $0x1BF5;
	[smem:$0x3FB9] =	sst s0  }
0x18: {  	s0 =	sld [smem:$0x3F9C];
	_ =	swait.ge [sflag:s4], $0x0  }
0x19: {  	s7 =	sld [smem:$0x3F9D]  }
0x1a: {  	s8 =	sadd.s32 $0xFFFFE003, lr  }
0x1b: {  	s9 =	sadd.s32 $0xFFFFFEF7, lr;
	s5 =	simm.s32 $0xFFFFFFFF;
	p2 =	slt.u32 s8, $0xFFFFF086  }
0x1c: {  	p1 =	slt.u32 s9, $0xF7A;
	s5 =	simm.s32 @!p2 $0x0  }
0x1d: {  	s5 =	simm.s32 @p1 $0x1;
	p0 =	seq.s32 s7, s2  }
0x1e: {  	s7 =	smul.u32 @!p0 $0xF7A, s2;
	p2 =	seq.s32 @!p0 s5, $0x0  }
0x1f: {  	s9 =	smul.u32 $0xF7A, s1;
	s8 =	simm.s32 @!p0 $0x1BF5;
	p2 =	por !p2, p0  }
0x20: {  	[sflag:s8] =	ssyncset.s32 @!p0 $0xFFFFF086;
	s6 =	sadd.s32 @!p0 s3, s7;
	s7 =	simm.s32 @!p0 $0x108  }
0x21: {  	s3 =	sadd.s32 s3, s9;
	s6 =	sadd.s32 @!p0 $0x88, s6;
	s7 =	simm.s32 @p2 $0x1082  }
0x22: {  	[simem:s7], [sflag:s8] =	dma.local @!p0 [hbm:s6], $0xF7A  }
0x23: {  	s9 =	sor.u32 $0xD0000000, s2;
	s6 =	simm.s32 $0x108;
	_ =	swait.ge @!p0 [sflag:s8], $0x0  }
0x24: {  	s3 =	sadd.s32 $0x88, s3;
	s6 =	simm.s32 @!p1 $0x1082;
	[sflag:s4] =	ssyncset.s32 $0xFFFFF086  }
0x25: {  	[simem:s6], [sflag:s4] =	dma.local [hbm:s3], $0xF7A  }
0x26: {  	[smem:$0x3F9D] =	sst s1;
	(tag) =	ssettag s2;
	_ =	strace s9  }
0x27: {  	s1 =	sld [smem:$0x3FAD]  }
0x28: {  	s2 =	sld [smem:$0x3FAE]  }
0x29: {  	s4 =	sld [smem:$0x3FB0]  }
0x2a: {  	p0 =	seq.s32 s5, $0x0;
	s5 =	sld [smem:$0x3FB1]  }
0x2b: {  	s6 =	sld [smem:$0x3FB2]  }
0x2c: {  	s7 =	sld [smem:$0x3FB3]  }
0x2d: {  	s3 =	simm.s32 $0x108;
	s8 =	sld [smem:$0x3FB4]  }
0x2e: {  	s3 =	simm.s32 @!p0 $0x1082;
	s9 =	sld [smem:$0x3FB5]  }
0x2f: {  	lr =	sadd.s32 s0, s3;
	s0 =	sld [smem:$0x3FAC]  }
0x30: {  	s3 =	sld [smem:$0x3FAF]  }
0x31: {  	[smem:$0x3FB8] =	sst s10  }
0x32: {  	s10 =	sld [smem:$0x3FB6];
	_ =	sdelay $0x3  }
0x33: {  	p0 =	seq.s32 s10, $0x1;
	s10 =	sld [smem:$0x3FB8];
	_ =	sdelay $0x3  }
0x34: {  	[smem:$0x3FB8] =	sst s10  }
0x35: {  	s10 =	sld [smem:$0x3FB7];
	_ =	sdelay $0x3  }
0x36: {  	p1 =	seq.s32 s10, $0x1;
	s10 =	sld [smem:$0x3FB8];
	_ =	sdelay $0x3  }
0x37: {  	[smem:$0x3FB8] =	sst s10  }
0x38: {  	s10 =	sld [smem:$0x3FB9]  }
0x39: {  	_ = 	snop;
	(pc) =	sbr.ind lr, $3  }
0x3a: {  	_ = 	snop  }
0x3b: {  	_ = 	snop  }
0x3c: {  	p2 =	seq.s32 s10, $0x1;
	s10 =	sld [smem:$0x3FB8]  }
0x3d: {  	_ =	shalt  }
0x3e: {  	_ =	shalt  }
0x3f: {  	_ =	shalt  }
0x40: {  	_ =	shalt  }
0x41: {  	_ =	shalt  }
0x42: {  	_ =	shalt  }
0x43: {  	_ =	shalt  }
0x44: {  	_ =	shalt  }
0x45: {  	_ =	shalt  }
0x46: {  	_ =	shalt  }
0x47: {  	_ =	shalt  }
0x48: {  	_ =	shalt  }
0x49: {  	_ =	shalt  }
0x4a: {  	_ =	shalt  }
0x4b: {  	_ =	shalt  }
0x4c: {  	_ =	shalt  }
0x4d: {  	_ =	shalt  }
0x4e: {  	_ =	shalt  }
0x4f: {  	_ =	shalt  }
0x50: {  	_ =	shalt  }
0x51: {  	_ =	shalt  }
0x52: {  	_ =	shalt  }
0x53: {  	_ =	shalt  }
0x54: {  	_ =	shalt  }
0x55: {  	_ =	shalt  }
0x56: {  	_ =	shalt  }
0x57: {  	_ =	shalt  }
0x58: {  	_ =	shalt  }
0x59: {  	_ =	shalt  }
0x5a: {  	_ =	shalt  }
0x5b: {  	_ =	shalt  }
0x5c: {  	_ =	shalt  }
0x5d: {  	_ =	shalt  }
0x5e: {  	_ =	shalt  }
0x5f: {  	_ =	shalt  }
0x60: {  	_ =	shalt  }
0x61: {  	_ =	shalt  }
0x62: {  	_ =	shalt  }
0x63: {  	_ =	shalt  }
0x64: {  	_ =	shalt  }
0x65: {  	_ =	shalt  }
0x66: {  	_ =	shalt  }
0x67: {  	_ =	shalt  }
0x68: {  	_ =	shalt  }
0x69: {  	_ =	shalt  }
0x6a: {  	_ =	shalt  }
0x6b: {  	_ =	shalt  }
0x6c: {  	_ =	shalt  }
0x6d: {  	_ =	shalt  }
0x6e: {  	_ =	shalt  }
0x6f: {  	_ =	shalt  }
0x70: {  	_ =	shalt  }
0x71: {  	_ =	shalt  }
0x72: {  	_ =	shalt  }
0x73: {  	_ =	shalt  }
0x74: {  	_ =	shalt  }
0x75: {  	_ =	shalt  }
0x76: {  	_ =	shalt  }
0x77: {  	_ =	shalt  }
0x78: {  	_ =	shalt  }
0x79: {  	_ =	shalt  }
0x7a: {  	_ =	shalt  }
0x7b: {  	_ =	shalt  }
0x7c: {  	_ =	shalt  }
0x7d: {  	_ =	shalt  }
0x7e: {  	_ =	shalt  }
0x7f: {  	_ =	shalt  }
0x80: {  	_ =	shalt  }
0x81: {  	_ =	shalt  }
0x82: {  	_ =	shalt  }
0x83: {  	_ =	shalt  }
0x84: {  	_ =	shalt  }
0x85: {  	_ =	shalt  }
0x86: {  	_ =	shalt  }
0x87: {  	_ =	shalt  }
.Lfunc_end0:
.L_simem_size_0:
called_computation_lowered:
.L_overlay_start_0:
0x88: {  	s2 =	sld [smem:$0x3FD9]  }
0x89: {  	s3 =	sld [smem:$0x3FFE];
	_ =	sdelay $0x1  }
0x8a: {  	s1 =	srdreg.scid  }
0x8b: {  	s0 =	sand.u32 $0x1, s1  }
0x8c: {  	s14 =	sshll.u32 s0, $0xA;
	s2 =	sadd.s32 s3, s2  }
0x8d: {  	s2 =	sadd.s32 s2, s14  }
0x8e: {  	[smem:$0x3FC4] =	sst s2  }
0x8f: {  	_ = 	snop  }
0x90: {  	s2 =	sld [smem:$0x3FD0];
	_ =	sdelay $0x2  }
0x91: {  	s15 =	simm.s32 $0xA;
	s4 =	simm.s32 $0x10  }
0x92: {  	[smem:s4], [sflag:s15] =	dma.local [hbm:s2], $0x1  }
0x93: {  	_ =	swait.eq [sflag:s15], $0x1  }
0x94: {  	[sflag:s15] =	ssyncset.done $0x0  }
0x95: {  	[sflag:s15] =	ssyncadd.s32 $0xFFFFFFFF  }
0x96: {  	s16 =	sld [smem:$0x10];
	(tm) =	ssettm $0x1  }
0x97: {  	s17 =	sld [smem:$0x3FFB];
	_ =	sdelay $0x3  }
0x98: {  	_ =	strace s17  }
0x99: {  	s3 =	sld [smem:$0x3FFC];
	_ =	sdelay $0x3  }
0x9a: {  	_ =	strace s3  }
0x9b: {  	s3 =	sld [smem:$0x3FFD];
	_ =	sdelay $0x3  }
0x9c: {  	_ =	strace s3  }
0x9d: {  	_ =	strace $0x8FFFFFFF  }
0x9e: {  	s18 =	sld [smem:$0x3FDB];
	_ =	sdelay $0x1  }
0x9f: {  	s19 =	simm.s32 $_scs_section_size  }
0xa0: {  	s5 =	simm.s32 $_size__tile_overlayer_lowered;
	s6 =	simm.s32 $_tile_overlayer_lowered  }
0xa1: {  	s22 =	simm.s32 $0x1BFF;
	s21 =	sshll.u32 s6, $0x1;
	s3 =	sadd.s32 s19, s18  }
0xa2: {  	s7 =	simm.s32 $0x0;
	s20 =	sshll.u32 s5, $0x1;
	s5 =	sadd.s32 s21, s3  }
0xa3: {  	[timem:s7], [sflag:s22] =	dma.local [hbm:s5], s20  }
0xa4: {  	_ =	swait.ge [sflag:s22], s20  }
0xa5: {  	s4 =	ssub.s32 $0x0, s20;
	[sflag:s22] =	ssyncset.done $0x0  }
0xa6: {  	[sflag:s22] =	ssyncadd.s32 s4;
	_ =	sdelay $0x1  }
0xa7: {  	s23 =	simm.s32 $0x1B8B  }
0xa8: {  	_ =	swait.ge [sflag:s23], $0x1  }
0xa9: {  	[sflag:s23] =	ssyncset.done $0x0  }
0xaa: {  	s25 =	simm.s32 $0x1B8E;
	s24 =	sld [smem:$0x3FFE];
	[sflag:s23] =	ssyncadd.s32 $0xFFFFFFFF  }
0xab: {  	s26 =	simm.s32 $execute0_lowered;
	[smem:$0x3FD2] =	sst s25  }
0xac: {  	s5 =	sshll.u32 s26, $0x1;
	_ =	strace $0x80000046;
	[dreg:$0x1] =	wrdreg $0xFFFFFFFF  }
0xad: {  	s28 =	simm.s32 $_size_execute0_lowered;
	s3 =	sadd.s32 s3, s5;
	[dreg:$0x0] =	wrdreg $0x0  }
0xae: {  	s5 =	sshll.u32 s28, $0x1;
	[dreg:$0x2] =	wrdreg s3  }
0xaf: {  	[dreg:$0x3] =	wrdreg s5  }
0xb0: {  	[dreg:$0x4] =	wrdreg $0xC0  }
0xb1: {  	_ =	task [dreg:s7], $0x5FFFF  }
0xb2: {  	[dreg:$0x1] =	wrdreg $0xFFFFFFFF  }
0xb3: {  	[dreg:$0x0] =	wrdreg $0x60  }
0xb4: {  	[dreg:$0x2] =	wrdreg s16  }
0xb5: {  	[dreg:$0x3] =	wrdreg s24  }
0xb6: {  	[dreg:$0x4] =	wrdreg $0x9  }
0xb7: {  	_ =	task.clear_ibuf [dreg:s7], $0x5FFFF;
	_ =	strace $0x90000046  }
0xb8: {  	s29 =	simm.s32 $0x9;
	_ =	strace $0x80000048  }
0xb9: {  	_ =	swait.ge [sflag:s29], $0x1  }
0xba: {  	[sflag:s29] =	ssyncadd.s32 $0xFFFFFFFF  }
0xbb: {  	_ =	strace $0x90000048  }
0xbc: {  	_ =	sfence  }
0xbd: {  	s30 =	sld [smem:$0x0];
	_ =	sdelay $0x2  }
0xbe: {  	s31 =	sshll.u32 s1, $0xD;
	s1 =	sshrl.u32 s1, $0x2  }
0xbf: {  	s3 =	sand.u32 $0x4000, s31;
	s1 =	sadd.s32 s1, s30  }
0xc0: {  	s0 =	sor.u32 s3, s0;
	s1 =	sshll.u32 s1, $0x11  }
0xc1: {  	s0 =	sor.u32 s1, s0  }
0xc2: {  	s0 =	sadd.s32 $0x8F2B, s0  }
0xc3: {  	[sflag:s0] =	ssyncadd.remote.s32 $0x1  }
0xc4: {  	_ =	sfence.sel $0xFFFF  }
0xc5: {  	[dreg:$0x0] =	wrdreg $0xFFFFFFFF;
	(pc) =	sbr.abs _section_cstart, $3  }
0xc6: {  	[dreg:$0x1] =	wrdreg $0xFFFFFFFF  }
0xc7: {  	_ =	task.clear_ibuf [dreg:s7], $0x2FFFF;
	_ =	strace $0x9FFFFFFF  }
0xc8: {  	(tm) =	ssettm $0x7FFFFFFF  }
0xc9: {  	_ =	shalt  }
tec
execute0_lowered:
.L_overlay_start_1:
0x0: {  	(tag) =	ssettag $0x1  }
0x1: {  	s0 =	srdreg.scid;
	s1 =	rddreg [dreg:$0x0]  }
0x2: {  	s3 =	rddreg [dreg:$0x1];
	s6 =	stileid.u32  }
0x3: {  	s2 =	simm.s32 $0x0;
	s31 =	simm.s32 $0x3;
	s8 =	simm.s32 $0x11C00  }
0x4: {  	s10 =	simm.s32 $0x12400;
	s12 =	simm.s32 $0x12C00;
	s13 =	simm.s32 $0x13400  }
0x5: {  	s14 =	simm.s32 $0x13C00;
	s15 =	simm.s32 $0x14400;
	s0 =	sand.u32 $0x1, s0  }
0x6: {  	s16 =	simm.s32 $0x14C00;
	s28 =	simm.s32 $0x16C00;
	s4 =	sshll.u32 s0, $0x4  }
0x7: {  	s29 =	simm.s32 $0x17400;
	s30 =	simm.s32 $0x17C00;
	s4 =	sor.u32 s6, s4  }
0x8: {  	[smem:$0x7FF] =	sst s2;
	s5 =	sshll.u32 s4, $0xF;
	s4 =	sshll.u32 s4, $0x7  }
0x9: {  	s24 =	sshll.u32 s6, $0xF;
	s5 =	sadd.s32 s5, s3;
	s3 =	sadd.s32 s3, s4  }
0xa: {  	_ =	strace $0x80000047;
	[dreg:$0x3] =	wrdreg s3;
	s17 =	sadd.s32 $0x1000, s5  }
0xb: {  	s0 =	ssub.s32 $0x2, s0;
	s18 =	sadd.s32 $0x2000, s5;
	[dreg:$0x4] =	wrdreg s17  }
0xc: {  	s21 =	sshrl.u32 s0, $0x1;
	s19 =	sadd.s32 $0x3000, s5;
	[dreg:$0x5] =	wrdreg s18  }
0xd: {  	s6 =	simm.s32 $0x11400;
	s20 =	sadd.s32 $0x4000, s5;
	[dreg:$0x6] =	wrdreg s19  }
0xe: {  	s0 =	ssub.s32 s0, s21;
	s22 =	sadd.s32 $0x5000, s5;
	[dreg:$0x7] =	wrdreg s20  }
0xf: {  	s21 =	simm.s32 $0x15C00;
	s23 =	sadd.s32 $0x6000, s5;
	[dreg:$0x8] =	wrdreg s22  }
0x10: {  	s4 =	smax.u32 s0, $0x1;
	s25 =	sadd.s32 $0x7000, s5;
	[dreg:$0x9] =	wrdreg s23  }
0x11: {  	s3 =	sadd.s32 s1, s24;
	s26 =	sadd.s32 $0x8000, s5;
	[dreg:$0xa] =	wrdreg s25  }
0x12: {  	[dreg:$0xb] =	wrdreg s26;
	s7 =	sadd.s32 $0x100, s3;
	s9 =	sadd.s32 $0x200, s3  }
0x13: {  	v2 =	vlaneseq.u32;
	s11 =	sadd.s32 $0x300, s3;
	s17 =	simm.s32 $0x1;
	s19 =	simm.s32 $0x2  }
0x14: {  	vm0 =	vmmov $0xffff;
	v1 =	vshrl.u32 v2, $0x3;
	s20 =	simm.s32 $0x4;
	s22 =	simm.s32 $0x5;
	s23 =	simm.s32 $0x6  }
0x15: {  	v0 =	vand.u32 $0x7, v2;
	v2 =	vor.u32 $0x8, v2;
	v1 =	vmul.u32 $0x8, v1;
	s25 =	simm.s32 $0x400;
	s18 =	simm.s32 $0x15400;
	s26 =	simm.s32 $0x16400  }
.LBB2_1:
0x16: {  	s24 =	rddreg [dreg:$0x3];
	s5 =	simm.s32 $0x7  }
0x17: {  	[tilespmem:s2], [sflag:$0x7] =	stream.linear.gather [hbm4b:s24+s2], $0x400, $0x38;
	[tilespmem:$0x18400] =	vst v63  }
0x18: {  	_ =	swait.ge [sflag:s5], $0x400  }
0x19: {  	[sflag:s5] =	ssyncset.done $0x0  }
0x1a: {  	[sflag:s5] =	ssyncadd.s32 $0xFFFFFC00  }
0x1b: {  	v3 =	vld [tilespmem:$0x0];
	_ =	sdelay $0x4  }
0x1c: {  	v4 =	vshll.u32 v3, $0x3  }
0x1d: {  	v3 =	vand.u32 $0x7, v3;
	v4 =	vand.u32 $0xFFFFFFC0, v4  }
0x1e: {  	v3 =	vor.u32 v3, v4  }
0x1f: {  	v4 =	vperm.xlane v3, v0;
	_ =	sdelay $0x1  }
0x20: {  	v4 =	vadd.s32 v1, v4;
	_ =	sdelay $0x4  }
0x21: {  	[tilespmem:s25], [sflag:$0x1] =	stream.indirect_vreg.gather [hbm4b:s3+s2], $0x80, v4, vm0, $0xb8;
	[tilespmem:$0x18400] =	vst v63  }
0x22: {  	s0 =	simm.s32 $0xC00;
	v3 =	vperm.xlane v3, v2  }
0x23: {  	[tilespmem:s0], [sflag:$0x1] =	stream.indirect_vreg.gather [hbm4b:s7+s2], $0x80, v4, vm0, $0xb8;
	[tilespmem:$0x18400] =	vst v63  }
0x24: {  	s24 =	simm.s32 $0x1400;
	v3 =	vadd.s32 v1, v3  }
0x25: {  	[tilespmem:s24], [sflag:$0x1] =	stream.indirect_vreg.gather [hbm4b:s9+s2], $0x80, v4, vm0, $0xb8;
	[tilespmem:$0x18400] =	vst v63  }
0x26: {  	s1 =	simm.s32 $0x1C00  }
0x27: {  	[tilespmem:s1], [sflag:$0x1] =	stream.indirect_vreg.gather [hbm4b:s11+s2], $0x80, v4, vm0, $0xb8;
	[tilespmem:$0x18400] =	vst v63  }
0x28: {  	s5 =	simm.s32 $0x2400  }
0x29: {  	[tilespmem:s5], [sflag:$0x1] =	stream.indirect_vreg.gather [hbm4b:s3+s2], $0x80, v3, vm0, $0xb8;
	[tilespmem:$0x18400] =	vst v63  }
0x2a: {  	s24 =	simm.s32 $0x2C00  }
0x2b: {  	[tilespmem:s24], [sflag:$0x1] =	stream.indirect_vreg.gather [hbm4b:s7+s2], $0x80, v3, vm0, $0xb8;
	[tilespmem:$0x18400] =	vst v63  }
0x2c: {  	s1 =	simm.s32 $0x3400  }
0x2d: {  	[tilespmem:s1], [sflag:$0x1] =	stream.indirect_vreg.gather [hbm4b:s9+s2], $0x80, v3, vm0, $0xb8;
	[tilespmem:$0x18400] =	vst v63  }
0x2e: {  	s5 =	simm.s32 $0x3C00  }
0x2f: {  	[tilespmem:s5], [sflag:$0x1] =	stream.indirect_vreg.gather [hbm4b:s11+s2], $0x80, v3, vm0, $0xb8;
	[tilespmem:$0x18400] =	vst v63  }
0x30: {  	v3 =	vld [tilespmem:$0x10];
	_ =	sdelay $0x4  }
0x31: {  	v49 =	vshll.u32 v3, $0x3  }
0x32: {  	v3 =	vand.u32 $0x7, v3;
	v4 =	vand.u32 $0xFFFFFFC0, v49  }
0x33: {  	v3 =	vor.u32 v3, v4  }
0x34: {  	v4 =	vperm.xlane v3, v0;
	_ =	sdelay $0x1  }
0x35: {  	v4 =	vadd.s32 v1, v4;
	_ =	sdelay $0x3  }
0x36: {  	s24 =	simm.s32 $0x4400  }
0x37: {  	[tilespmem:s24], [sflag:$0x1] =	stream.indirect_vreg.gather [hbm4b:s3+s2], $0x80, v4, vm0, $0xb8;
	[tilespmem:$0x18400] =	vst v63  }
0x38: {  	s1 =	simm.s32 $0x4C00;
	v3 =	vperm.xlane v3, v2  }
0x39: {  	[tilespmem:s1], [sflag:$0x1] =	stream.indirect_vreg.gather [hbm4b:s7+s2], $0x80, v4, vm0, $0xb8;
	[tilespmem:$0x18400] =	vst v63  }
0x3a: {  	s5 =	simm.s32 $0x5400;
	v3 =	vadd.s32 v1, v3  }
0x3b: {  	[tilespmem:s5], [sflag:$0x1] =	stream.indirect_vreg.gather [hbm4b:s9+s2], $0x80, v4, vm0, $0xb8;
	[tilespmem:$0x18400] =	vst v63  }
0x3c: {  	s24 =	simm.s32 $0x5C00  }
0x3d: {  	[tilespmem:s24], [sflag:$0x1] =	stream.indirect_vreg.gather [hbm4b:s11+s2], $0x80, v4, vm0, $0xb8;
	[tilespmem:$0x18400] =	vst v63  }
0x3e: {  	s1 =	simm.s32 $0x6400  }
0x3f: {  	[tilespmem:s1], [sflag:$0x1] =	stream.indirect_vreg.gather [hbm4b:s3+s2], $0x80, v3, vm0, $0xb8;
	[tilespmem:$0x18400] =	vst v63  }
0x40: {  	s5 =	simm.s32 $0x6C00  }
0x41: {  	[tilespmem:s5], [sflag:$0x1] =	stream.indirect_vreg.gather [hbm4b:s7+s2], $0x80, v3, vm0, $0xb8;
	[tilespmem:$0x18400] =	vst v63  }
0x42: {  	s24 =	simm.s32 $0x7400  }
0x43: {  	[tilespmem:s24], [sflag:$0x1] =	stream.indirect_vreg.gather [hbm4b:s9+s2], $0x80, v3, vm0, $0xb8;
	[tilespmem:$0x18400] =	vst v63  }
0x44: {  	s1 =	simm.s32 $0x7C00  }
0x45: {  	[tilespmem:s1], [sflag:$0x1] =	stream.indirect_vreg.gather [hbm4b:s11+s2], $0x80, v3, vm0, $0xb8;
	[tilespmem:$0x18400] =	vst v63  }
0x46: {  	v3 =	vld [tilespmem:$0x80];
	_ =	sdelay $0x4  }
0x47: {  	v50 =	vshll.u32 v3, $0x3  }
0x48: {  	v3 =	vand.u32 $0x7, v3;
	v4 =	vand.u32 $0xFFFFFFC0, v50  }
0x49: {  	v3 =	vor.u32 v3, v4  }
0x4a: {  	v4 =	vperm.xlane v3, v0;
	_ =	sdelay $0x1  }
0x4b: {  	v4 =	vadd.s32 v1, v4;
	_ =	sdelay $0x3  }
0x4c: {  	s0 =	simm.s32 $0x8400  }
0x4d: {  	[tilespmem:s0], [sflag:$0x2] =	stream.indirect_vreg.gather [hbm4b:s3+s2], $0x80, v4, vm0, $0xb8;
	[tilespmem:$0x18400] =	vst v63  }
0x4e: {  	s1 =	simm.s32 $0x8C00;
	v3 =	vperm.xlane v3, v2  }
0x4f: {  	[tilespmem:s1], [sflag:$0x2] =	stream.indirect_vreg.gather [hbm4b:s7+s2], $0x80, v4, vm0, $0xb8;
	[tilespmem:$0x18400] =	vst v63  }
0x50: {  	s5 =	simm.s32 $0x9400;
	v3 =	vadd.s32 v1, v3  }
0x51: {  	[tilespmem:s5], [sflag:$0x2] =	stream.indirect_vreg.gather [hbm4b:s9+s2], $0x80, v4, vm0, $0xb8;
	[tilespmem:$0x18400] =	vst v63  }
0x52: {  	s24 =	simm.s32 $0x9C00  }
0x53: {  	[tilespmem:s24], [sflag:$0x2] =	stream.indirect_vreg.gather [hbm4b:s11+s2], $0x80, v4, vm0, $0xb8;
	[tilespmem:$0x18400] =	vst v63  }
0x54: {  	s5 =	simm.s32 $0xA400  }
0x55: {  	[tilespmem:s5], [sflag:$0x2] =	stream.indirect_vreg.gather [hbm4b:s3+s2], $0x80, v3, vm0, $0xb8;
	[tilespmem:$0x18400] =	vst v63  }
0x56: {  	s24 =	simm.s32 $0xAC00  }
0x57: {  	[tilespmem:s24], [sflag:$0x2] =	stream.indirect_vreg.gather [hbm4b:s7+s2], $0x80, v3, vm0, $0xb8;
	[tilespmem:$0x18400] =	vst v63  }
0x58: {  	s5 =	simm.s32 $0xB400  }
0x59: {  	[tilespmem:s5], [sflag:$0x2] =	stream.indirect_vreg.gather [hbm4b:s9+s2], $0x80, v3, vm0, $0xb8;
	[tilespmem:$0x18400] =	vst v63  }
0x5a: {  	s24 =	simm.s32 $0xBC00  }
0x5b: {  	[tilespmem:s24], [sflag:$0x2] =	stream.indirect_vreg.gather [hbm4b:s11+s2], $0x80, v3, vm0, $0xb8;
	[tilespmem:$0x18400] =	vst v63  }
0x5c: {  	v3 =	vld [tilespmem:$0x90];
	_ =	sdelay $0x4  }
0x5d: {  	v51 =	vshll.u32 v3, $0x3  }
0x5e: {  	v3 =	vand.u32 $0x7, v3;
	v4 =	vand.u32 $0xFFFFFFC0, v51  }
0x5f: {  	v3 =	vor.u32 v3, v4  }
0x60: {  	v4 =	vperm.xlane v3, v0;
	_ =	sdelay $0x1  }
0x61: {  	v4 =	vadd.s32 v1, v4;
	_ =	sdelay $0x3  }
0x62: {  	s5 =	simm.s32 $0xC400  }
0x63: {  	[tilespmem:s5], [sflag:$0x2] =	stream.indirect_vreg.gather [hbm4b:s3+s2], $0x80, v4, vm0, $0xb8;
	[tilespmem:$0x18400] =	vst v63  }
0x64: {  	s24 =	simm.s32 $0xCC00;
	v3 =	vperm.xlane v3, v2  }
0x65: {  	[tilespmem:s24], [sflag:$0x2] =	stream.indirect_vreg.gather [hbm4b:s7+s2], $0x80, v4, vm0, $0xb8;
	[tilespmem:$0x18400] =	vst v63  }
0x66: {  	v3 =	vadd.s32 v1, v3;
	s5 =	simm.s32 $0xD400  }
0x67: {  	[tilespmem:s5], [sflag:$0x2] =	stream.indirect_vreg.gather [hbm4b:s9+s2], $0x80, v4, vm0, $0xb8;
	[tilespmem:$0x18400] =	vst v63  }
0x68: {  	s24 =	simm.s32 $0xDC00  }
0x69: {  	[tilespmem:s24], [sflag:$0x2] =	stream.indirect_vreg.gather [hbm4b:s11+s2], $0x80, v4, vm0, $0xb8;
	[tilespmem:$0x18400] =	vst v63  }
0x6a: {  	s5 =	simm.s32 $0xE400  }
0x6b: {  	[tilespmem:s5], [sflag:$0x2] =	stream.indirect_vreg.gather [hbm4b:s3+s2], $0x80, v3, vm0, $0xb8;
	[tilespmem:$0x18400] =	vst v63  }
0x6c: {  	s24 =	simm.s32 $0xEC00  }
0x6d: {  	[tilespmem:s24], [sflag:$0x2] =	stream.indirect_vreg.gather [hbm4b:s7+s2], $0x80, v3, vm0, $0xb8;
	[tilespmem:$0x18400] =	vst v63  }
0x6e: {  	s5 =	simm.s32 $0xF400  }
0x6f: {  	[tilespmem:s5], [sflag:$0x2] =	stream.indirect_vreg.gather [hbm4b:s9+s2], $0x80, v3, vm0, $0xb8;
	[tilespmem:$0x18400] =	vst v63  }
0x70: {  	s24 =	simm.s32 $0xFC00  }
0x71: {  	[tilespmem:s24], [sflag:$0x2] =	stream.indirect_vreg.gather [hbm4b:s11+s2], $0x80, v3, vm0, $0xb8;
	[tilespmem:$0x18400] =	vst v63  }
0x72: {  	_ =	swait.ge [sflag:s17], $0x8000  }
0x73: {  	[sflag:s17] =	ssyncset.done $0x0  }
0x74: {  	s1 =	rddreg [dreg:$0x4];
	[sflag:s17] =	ssyncadd.s32 $0xFFFF8000  }
0x75: {  	[hbm4b:s1+s2] =	stream.linear.scatter [tilespmem:s25], [sflag:$0x4], $0x8000, $0x38;
	[tilespmem:$0x18400] =	vst v63  }
0x76: {  	v3 =	vld [tilespmem:$0x100];
	_ =	sdelay $0x4  }
0x77: {  	v52 =	vshll.u32 v3, $0x3  }
0x78: {  	v3 =	vand.u32 $0x7, v3;
	v4 =	vand.u32 $0xFFFFFFC0, v52  }
0x79: {  	v3 =	vor.u32 v3, v4  }
0x7a: {  	v4 =	vperm.xlane v3, v0;
	_ =	sdelay $0x1  }
0x7b: {  	v4 =	vadd.s32 v1, v4;
	_ =	sdelay $0x3  }
0x7c: {  	s1 =	simm.s32 $0x10400  }
0x7d: {  	[tilespmem:s1], [sflag:$0x3] =	stream.indirect_vreg.gather [hbm4b:s3+s2], $0x80, v4, vm0, $0xb8;
	[tilespmem:$0x18400] =	vst v63  }
0x7e: {  	s5 =	simm.s32 $0x10C00;
	v3 =	vperm.xlane v3, v2  }
0x7f: {  	[tilespmem:s5], [sflag:$0x3] =	stream.indirect_vreg.gather [hbm4b:s7+s2], $0x80, v4, vm0, $0xb8;
	[tilespmem:$0x18400] =	vst v63  }
0x80: {  	v3 =	vadd.s32 v1, v3  }
0x81: {  	[tilespmem:s6], [sflag:$0x3] =	stream.indirect_vreg.gather [hbm4b:s9+s2], $0x80, v4, vm0, $0xb8;
	[tilespmem:$0x18400] =	vst v63  }
0x82: {  	_ = 	snop  }
0x83: {  	[tilespmem:s8], [sflag:$0x3] =	stream.indirect_vreg.gather [hbm4b:s11+s2], $0x80, v4, vm0, $0xb8;
	[tilespmem:$0x18400] =	vst v63  }
0x84: {  	_ = 	snop  }
0x85: {  	[tilespmem:s10], [sflag:$0x3] =	stream.indirect_vreg.gather [hbm4b:s3+s2], $0x80, v3, vm0, $0xb8;
	[tilespmem:$0x18400] =	vst v63  }
0x86: {  	_ = 	snop  }
0x87: {  	[tilespmem:s12], [sflag:$0x3] =	stream.indirect_vreg.gather [hbm4b:s7+s2], $0x80, v3, vm0, $0xb8;
	[tilespmem:$0x18400] =	vst v63  }
0x88: {  	_ = 	snop  }
0x89: {  	[tilespmem:s13], [sflag:$0x3] =	stream.indirect_vreg.gather [hbm4b:s9+s2], $0x80, v3, vm0, $0xb8;
	[tilespmem:$0x18400] =	vst v63  }
0x8a: {  	_ = 	snop  }
0x8b: {  	[tilespmem:s14], [sflag:$0x3] =	stream.indirect_vreg.gather [hbm4b:s11+s2], $0x80, v3, vm0, $0xb8;
	[tilespmem:$0x18400] =	vst v63  }
0x8c: {  	v3 =	vld [tilespmem:$0x110];
	_ =	sdelay $0x4  }
0x8d: {  	v53 =	vshll.u32 v3, $0x3  }
0x8e: {  	v3 =	vand.u32 $0x7, v3;
	v4 =	vand.u32 $0xFFFFFFC0, v53  }
0x8f: {  	v3 =	vor.u32 v3, v4  }
0x90: {  	v4 =	vperm.xlane v3, v0;
	_ =	sdelay $0x1  }
0x91: {  	v4 =	vadd.s32 v1, v4;
	_ =	sdelay $0x4  }
0x92: {  	[tilespmem:s15], [sflag:$0x3] =	stream.indirect_vreg.gather [hbm4b:s3+s2], $0x80, v4, vm0, $0xb8;
	[tilespmem:$0x18400] =	vst v63  }
0x93: {  	v3 =	vperm.xlane v3, v2  }
0x94: {  	[tilespmem:s16], [sflag:$0x3] =	stream.indirect_vreg.gather [hbm4b:s7+s2], $0x80, v4, vm0, $0xb8;
	[tilespmem:$0x18400] =	vst v63  }
0x95: {  	v3 =	vadd.s32 v1, v3  }
0x96: {  	[tilespmem:s18], [sflag:$0x3] =	stream.indirect_vreg.gather [hbm4b:s9+s2], $0x80, v4, vm0, $0xb8;
	[tilespmem:$0x18400] =	vst v63  }
0x97: {  	_ = 	snop  }
0x98: {  	[tilespmem:s21], [sflag:$0x3] =	stream.indirect_vreg.gather [hbm4b:s11+s2], $0x80, v4, vm0, $0xb8;
	[tilespmem:$0x18400] =	vst v63  }
0x99: {  	_ = 	snop  }
0x9a: {  	[tilespmem:s26], [sflag:$0x3] =	stream.indirect_vreg.gather [hbm4b:s3+s2], $0x80, v3, vm0, $0xb8;
	[tilespmem:$0x18400] =	vst v63  }
0x9b: {  	_ = 	snop  }
0x9c: {  	[tilespmem:s28], [sflag:$0x3] =	stream.indirect_vreg.gather [hbm4b:s7+s2], $0x80, v3, vm0, $0xb8;
	[tilespmem:$0x18400] =	vst v63  }
0x9d: {  	_ = 	snop  }
0x9e: {  	[tilespmem:s29], [sflag:$0x3] =	stream.indirect_vreg.gather [hbm4b:s9+s2], $0x80, v3, vm0, $0xb8;
	[tilespmem:$0x18400] =	vst v63  }
0x9f: {  	_ = 	snop  }
0xa0: {  	[tilespmem:s30], [sflag:$0x3] =	stream.indirect_vreg.gather [hbm4b:s11+s2], $0x80, v3, vm0, $0xb8;
	[tilespmem:$0x18400] =	vst v63  }
0xa1: {  	_ =	swait.ge [sflag:s19], $0x8000  }
0xa2: {  	[sflag:s19] =	ssyncset.done $0x0  }
0xa3: {  	s24 =	rddreg [dreg:$0x5];
	[sflag:s19] =	ssyncadd.s32 $0xFFFF8000  }
0xa4: {  	[hbm4b:s24+s2] =	stream.linear.scatter [tilespmem:s0], [sflag:$0x5], $0x8000, $0x38;
	[tilespmem:$0x18400] =	vst v63  }
0xa5: {  	_ =	swait.ge [sflag:s20], $0x8000  }
0xa6: {  	[sflag:s20] =	ssyncset.done $0x0  }
0xa7: {  	[sflag:s20] =	ssyncadd.s32 $0xFFFF8000  }
0xa8: {  	v3 =	vld [tilespmem:$0x180];
	_ =	sdelay $0x4  }
0xa9: {  	v54 =	vshll.u32 v3, $0x3  }
0xaa: {  	v3 =	vand.u32 $0x7, v3;
	v4 =	vand.u32 $0xFFFFFFC0, v54  }
0xab: {  	v3 =	vor.u32 v3, v4  }
0xac: {  	v4 =	vperm.xlane v3, v0;
	_ =	sdelay $0x1  }
0xad: {  	v4 =	vadd.s32 v1, v4;
	_ =	sdelay $0x4  }
0xae: {  	[tilespmem:s25], [sflag:$0x1] =	stream.indirect_vreg.gather [hbm4b:s3+s2], $0x80, v4, vm0, $0xb8;
	[tilespmem:$0x18400] =	vst v63  }
0xaf: {  	s24 =	simm.s32 $0xC00;
	v3 =	vperm.xlane v3, v2  }
0xb0: {  	[tilespmem:s24], [sflag:$0x1] =	stream.indirect_vreg.gather [hbm4b:s7+s2], $0x80, v4, vm0, $0xb8;
	[tilespmem:$0x18400] =	vst v63  }
0xb1: {  	v3 =	vadd.s32 v1, v3;
	s24 =	simm.s32 $0x1400  }
0xb2: {  	[tilespmem:s24], [sflag:$0x1] =	stream.indirect_vreg.gather [hbm4b:s9+s2], $0x80, v4, vm0, $0xb8;
	[tilespmem:$0x18400] =	vst v63  }
0xb3: {  	s24 =	simm.s32 $0x1C00  }
0xb4: {  	[tilespmem:s24], [sflag:$0x1] =	stream.indirect_vreg.gather [hbm4b:s11+s2], $0x80, v4, vm0, $0xb8;
	[tilespmem:$0x18400] =	vst v63  }
0xb5: {  	s24 =	simm.s32 $0x2400  }
0xb6: {  	[tilespmem:s24], [sflag:$0x1] =	stream.indirect_vreg.gather [hbm4b:s3+s2], $0x80, v3, vm0, $0xb8;
	[tilespmem:$0x18400] =	vst v63  }
0xb7: {  	s24 =	simm.s32 $0x2C00  }
0xb8: {  	[tilespmem:s24], [sflag:$0x1] =	stream.indirect_vreg.gather [hbm4b:s7+s2], $0x80, v3, vm0, $0xb8;
	[tilespmem:$0x18400] =	vst v63  }
0xb9: {  	s24 =	simm.s32 $0x3400  }
0xba: {  	[tilespmem:s24], [sflag:$0x1] =	stream.indirect_vreg.gather [hbm4b:s9+s2], $0x80, v3, vm0, $0xb8;
	[tilespmem:$0x18400] =	vst v63  }
0xbb: {  	s24 =	simm.s32 $0x3C00  }
0xbc: {  	[tilespmem:s24], [sflag:$0x1] =	stream.indirect_vreg.gather [hbm4b:s11+s2], $0x80, v3, vm0, $0xb8;
	[tilespmem:$0x18400] =	vst v63  }
0xbd: {  	v3 =	vld [tilespmem:$0x190];
	_ =	sdelay $0x4  }
0xbe: {  	v55 =	vshll.u32 v3, $0x3  }
0xbf: {  	v3 =	vand.u32 $0x7, v3;
	v4 =	vand.u32 $0xFFFFFFC0, v55  }
0xc0: {  	v3 =	vor.u32 v3, v4  }
0xc1: {  	v4 =	vperm.xlane v3, v0;
	_ =	sdelay $0x1  }
0xc2: {  	v4 =	vadd.s32 v1, v4;
	_ =	sdelay $0x3  }
0xc3: {  	s24 =	simm.s32 $0x4400  }
0xc4: {  	[tilespmem:s24], [sflag:$0x1] =	stream.indirect_vreg.gather [hbm4b:s3+s2], $0x80, v4, vm0, $0xb8;
	[tilespmem:$0x18400] =	vst v63  }
0xc5: {  	v3 =	vperm.xlane v3, v2;
	s24 =	simm.s32 $0x4C00  }
0xc6: {  	[tilespmem:s24], [sflag:$0x1] =	stream.indirect_vreg.gather [hbm4b:s7+s2], $0x80, v4, vm0, $0xb8;
	[tilespmem:$0x18400] =	vst v63  }
0xc7: {  	v3 =	vadd.s32 v1, v3;
	s24 =	simm.s32 $0x5400  }
0xc8: {  	[tilespmem:s24], [sflag:$0x1] =	stream.indirect_vreg.gather [hbm4b:s9+s2], $0x80, v4, vm0, $0xb8;
	[tilespmem:$0x18400] =	vst v63  }
0xc9: {  	s24 =	simm.s32 $0x5C00  }
0xca: {  	[tilespmem:s24], [sflag:$0x1] =	stream.indirect_vreg.gather [hbm4b:s11+s2], $0x80, v4, vm0, $0xb8;
	[tilespmem:$0x18400] =	vst v63  }
0xcb: {  	s24 =	simm.s32 $0x6400  }
0xcc: {  	[tilespmem:s24], [sflag:$0x1] =	stream.indirect_vreg.gather [hbm4b:s3+s2], $0x80, v3, vm0, $0xb8;
	[tilespmem:$0x18400] =	vst v63  }
0xcd: {  	s24 =	simm.s32 $0x6C00  }
0xce: {  	[tilespmem:s24], [sflag:$0x1] =	stream.indirect_vreg.gather [hbm4b:s7+s2], $0x80, v3, vm0, $0xb8;
	[tilespmem:$0x18400] =	vst v63  }
0xcf: {  	s24 =	simm.s32 $0x7400  }
0xd0: {  	[tilespmem:s24], [sflag:$0x1] =	stream.indirect_vreg.gather [hbm4b:s9+s2], $0x80, v3, vm0, $0xb8;
	[tilespmem:$0x18400] =	vst v63  }
0xd1: {  	s24 =	simm.s32 $0x7C00  }
0xd2: {  	[tilespmem:s24], [sflag:$0x1] =	stream.indirect_vreg.gather [hbm4b:s11+s2], $0x80, v3, vm0, $0xb8;
	[tilespmem:$0x18400] =	vst v63  }
0xd3: {  	_ =	swait.ge [sflag:s31], $0x8000  }
0xd4: {  	[sflag:s31] =	ssyncset.done $0x0  }
0xd5: {  	s24 =	rddreg [dreg:$0x6];
	[sflag:s31] =	ssyncadd.s32 $0xFFFF8000  }
0xd6: {  	[hbm4b:s24+s2] =	stream.linear.scatter [tilespmem:s1], [sflag:$0x6], $0x8000, $0x38;
	[tilespmem:$0x18400] =	vst v63  }
0xd7: {  	_ =	swait.ge [sflag:s22], $0x8000  }
0xd8: {  	[sflag:s22] =	ssyncset.done $0x0  }
0xd9: {  	[sflag:s22] =	ssyncadd.s32 $0xFFFF8000  }
0xda: {  	v3 =	vld [tilespmem:$0x200];
	_ =	sdelay $0x4  }
0xdb: {  	v56 =	vshll.u32 v3, $0x3  }
0xdc: {  	v3 =	vand.u32 $0x7, v3;
	v4 =	vand.u32 $0xFFFFFFC0, v56  }
0xdd: {  	v3 =	vor.u32 v3, v4  }
0xde: {  	v4 =	vperm.xlane v3, v0;
	_ =	sdelay $0x1  }
0xdf: {  	v4 =	vadd.s32 v1, v4;
	_ =	sdelay $0x4  }
0xe0: {  	[tilespmem:s0], [sflag:$0x2] =	stream.indirect_vreg.gather [hbm4b:s3+s2], $0x80, v4, vm0, $0xb8;
	[tilespmem:$0x18400] =	vst v63  }
0xe1: {  	s24 =	simm.s32 $0x8C00;
	v3 =	vperm.xlane v3, v2  }
0xe2: {  	[tilespmem:s24], [sflag:$0x2] =	stream.indirect_vreg.gather [hbm4b:s7+s2], $0x80, v4, vm0, $0xb8;
	[tilespmem:$0x18400] =	vst v63  }
0xe3: {  	v3 =	vadd.s32 v1, v3;
	s24 =	simm.s32 $0x9400  }
0xe4: {  	[tilespmem:s24], [sflag:$0x2] =	stream.indirect_vreg.gather [hbm4b:s9+s2], $0x80, v4, vm0, $0xb8;
	[tilespmem:$0x18400] =	vst v63  }
0xe5: {  	s24 =	simm.s32 $0x9C00  }
0xe6: {  	[tilespmem:s24], [sflag:$0x2] =	stream.indirect_vreg.gather [hbm4b:s11+s2], $0x80, v4, vm0, $0xb8;
	[tilespmem:$0x18400] =	vst v63  }
0xe7: {  	s24 =	simm.s32 $0xA400  }
0xe8: {  	[tilespmem:s24], [sflag:$0x2] =	stream.indirect_vreg.gather [hbm4b:s3+s2], $0x80, v3, vm0, $0xb8;
	[tilespmem:$0x18400] =	vst v63  }
0xe9: {  	s24 =	simm.s32 $0xAC00  }
0xea: {  	[tilespmem:s24], [sflag:$0x2] =	stream.indirect_vreg.gather [hbm4b:s7+s2], $0x80, v3, vm0, $0xb8;
	[tilespmem:$0x18400] =	vst v63  }
0xeb: {  	s24 =	simm.s32 $0xB400  }
0xec: {  	[tilespmem:s24], [sflag:$0x2] =	stream.indirect_vreg.gather [hbm4b:s9+s2], $0x80, v3, vm0, $0xb8;
	[tilespmem:$0x18400] =	vst v63  }
0xed: {  	s24 =	simm.s32 $0xBC00  }
0xee: {  	[tilespmem:s24], [sflag:$0x2] =	stream.indirect_vreg.gather [hbm4b:s11+s2], $0x80, v3, vm0, $0xb8;
	[tilespmem:$0x18400] =	vst v63  }
0xef: {  	v3 =	vld [tilespmem:$0x210];
	_ =	sdelay $0x4  }
0xf0: {  	v57 =	vshll.u32 v3, $0x3  }
0xf1: {  	v3 =	vand.u32 $0x7, v3;
	v4 =	vand.u32 $0xFFFFFFC0, v57  }
0xf2: {  	v3 =	vor.u32 v3, v4  }
0xf3: {  	v4 =	vperm.xlane v3, v0;
	_ =	sdelay $0x1  }
0xf4: {  	v4 =	vadd.s32 v1, v4;
	_ =	sdelay $0x3  }
0xf5: {  	s24 =	simm.s32 $0xC400  }
0xf6: {  	[tilespmem:s24], [sflag:$0x2] =	stream.indirect_vreg.gather [hbm4b:s3+s2], $0x80, v4, vm0, $0xb8;
	[tilespmem:$0x18400] =	vst v63  }
0xf7: {  	v3 =	vperm.xlane v3, v2;
	s24 =	simm.s32 $0xCC00  }
0xf8: {  	[tilespmem:s24], [sflag:$0x2] =	stream.indirect_vreg.gather [hbm4b:s7+s2], $0x80, v4, vm0, $0xb8;
	[tilespmem:$0x18400] =	vst v63  }
0xf9: {  	v3 =	vadd.s32 v1, v3;
	s24 =	simm.s32 $0xD400  }
0xfa: {  	[tilespmem:s24], [sflag:$0x2] =	stream.indirect_vreg.gather [hbm4b:s9+s2], $0x80, v4, vm0, $0xb8;
	[tilespmem:$0x18400] =	vst v63  }
0xfb: {  	s24 =	simm.s32 $0xDC00  }
0xfc: {  	[tilespmem:s24], [sflag:$0x2] =	stream.indirect_vreg.gather [hbm4b:s11+s2], $0x80, v4, vm0, $0xb8;
	[tilespmem:$0x18400] =	vst v63  }
0xfd: {  	s24 =	simm.s32 $0xE400  }
0xfe: {  	[tilespmem:s24], [sflag:$0x2] =	stream.indirect_vreg.gather [hbm4b:s3+s2], $0x80, v3, vm0, $0xb8;
	[tilespmem:$0x18400] =	vst v63  }
0xff: {  	s24 =	simm.s32 $0xEC00  }
0x100: {  	[tilespmem:s24], [sflag:$0x2] =	stream.indirect_vreg.gather [hbm4b:s7+s2], $0x80, v3, vm0, $0xb8;
	[tilespmem:$0x18400] =	vst v63  }
0x101: {  	s24 =	simm.s32 $0xF400  }
0x102: {  	[tilespmem:s24], [sflag:$0x2] =	stream.indirect_vreg.gather [hbm4b:s9+s2], $0x80, v3, vm0, $0xb8;
	[tilespmem:$0x18400] =	vst v63  }
0x103: {  	s24 =	simm.s32 $0xFC00  }
0x104: {  	[tilespmem:s24], [sflag:$0x2] =	stream.indirect_vreg.gather [hbm4b:s11+s2], $0x80, v3, vm0, $0xb8;
	[tilespmem:$0x18400] =	vst v63  }
0x105: {  	_ =	swait.ge [sflag:s17], $0x8000  }
0x106: {  	[sflag:s17] =	ssyncset.done $0x0  }
0x107: {  	s24 =	rddreg [dreg:$0x7];
	[sflag:s17] =	ssyncadd.s32 $0xFFFF8000  }
0x108: {  	[hbm4b:s24+s2] =	stream.linear.scatter [tilespmem:s25], [sflag:$0x4], $0x8000, $0x38;
	[tilespmem:$0x18400] =	vst v63  }
0x109: {  	_ =	swait.ge [sflag:s23], $0x8000  }
0x10a: {  	[sflag:s23] =	ssyncset.done $0x0  }
0x10b: {  	[sflag:s23] =	ssyncadd.s32 $0xFFFF8000  }
0x10c: {  	v3 =	vld [tilespmem:$0x280];
	_ =	sdelay $0x4  }
0x10d: {  	v58 =	vshll.u32 v3, $0x3  }
0x10e: {  	v3 =	vand.u32 $0x7, v3;
	v4 =	vand.u32 $0xFFFFFFC0, v58  }
0x10f: {  	v3 =	vor.u32 v3, v4  }
0x110: {  	v4 =	vperm.xlane v3, v0;
	_ =	sdelay $0x1  }
0x111: {  	v4 =	vadd.s32 v1, v4;
	_ =	sdelay $0x4  }
0x112: {  	[tilespmem:s1], [sflag:$0x3] =	stream.indirect_vreg.gather [hbm4b:s3+s2], $0x80, v4, vm0, $0xb8;
	[tilespmem:$0x18400] =	vst v63  }
0x113: {  	v3 =	vperm.xlane v3, v2  }
0x114: {  	[tilespmem:s5], [sflag:$0x3] =	stream.indirect_vreg.gather [hbm4b:s7+s2], $0x80, v4, vm0, $0xb8;
	[tilespmem:$0x18400] =	vst v63  }
0x115: {  	v3 =	vadd.s32 v1, v3  }
0x116: {  	[tilespmem:s6], [sflag:$0x3] =	stream.indirect_vreg.gather [hbm4b:s9+s2], $0x80, v4, vm0, $0xb8;
	[tilespmem:$0x18400] =	vst v63  }
0x117: {  	_ = 	snop  }
0x118: {  	[tilespmem:s8], [sflag:$0x3] =	stream.indirect_vreg.gather [hbm4b:s11+s2], $0x80, v4, vm0, $0xb8;
	[tilespmem:$0x18400] =	vst v63  }
0x119: {  	_ = 	snop  }
0x11a: {  	[tilespmem:s10], [sflag:$0x3] =	stream.indirect_vreg.gather [hbm4b:s3+s2], $0x80, v3, vm0, $0xb8;
	[tilespmem:$0x18400] =	vst v63  }
0x11b: {  	_ = 	snop  }
0x11c: {  	[tilespmem:s12], [sflag:$0x3] =	stream.indirect_vreg.gather [hbm4b:s7+s2], $0x80, v3, vm0, $0xb8;
	[tilespmem:$0x18400] =	vst v63  }
0x11d: {  	_ = 	snop  }
0x11e: {  	[tilespmem:s13], [sflag:$0x3] =	stream.indirect_vreg.gather [hbm4b:s9+s2], $0x80, v3, vm0, $0xb8;
	[tilespmem:$0x18400] =	vst v63  }
0x11f: {  	_ = 	snop  }
0x120: {  	[tilespmem:s14], [sflag:$0x3] =	stream.indirect_vreg.gather [hbm4b:s11+s2], $0x80, v3, vm0, $0xb8;
	[tilespmem:$0x18400] =	vst v63  }
0x121: {  	v3 =	vld [tilespmem:$0x290];
	_ =	sdelay $0x4  }
0x122: {  	v59 =	vshll.u32 v3, $0x3  }
0x123: {  	v3 =	vand.u32 $0x7, v3;
	v4 =	vand.u32 $0xFFFFFFC0, v59  }
0x124: {  	v3 =	vor.u32 v3, v4  }
0x125: {  	v4 =	vperm.xlane v3, v0;
	_ =	sdelay $0x1  }
0x126: {  	v4 =	vadd.s32 v1, v4;
	_ =	sdelay $0x4  }
0x127: {  	[tilespmem:s15], [sflag:$0x3] =	stream.indirect_vreg.gather [hbm4b:s3+s2], $0x80, v4, vm0, $0xb8;
	[tilespmem:$0x18400] =	vst v63  }
0x128: {  	v3 =	vperm.xlane v3, v2  }
0x129: {  	[tilespmem:s16], [sflag:$0x3] =	stream.indirect_vreg.gather [hbm4b:s7+s2], $0x80, v4, vm0, $0xb8;
	[tilespmem:$0x18400] =	vst v63  }
0x12a: {  	v3 =	vadd.s32 v1, v3  }
0x12b: {  	[tilespmem:s18], [sflag:$0x3] =	stream.indirect_vreg.gather [hbm4b:s9+s2], $0x80, v4, vm0, $0xb8;
	[tilespmem:$0x18400] =	vst v63  }
0x12c: {  	_ = 	snop  }
0x12d: {  	[tilespmem:s21], [sflag:$0x3] =	stream.indirect_vreg.gather [hbm4b:s11+s2], $0x80, v4, vm0, $0xb8;
	[tilespmem:$0x18400] =	vst v63  }
0x12e: {  	_ = 	snop  }
0x12f: {  	[tilespmem:s26], [sflag:$0x3] =	stream.indirect_vreg.gather [hbm4b:s3+s2], $0x80, v3, vm0, $0xb8;
	[tilespmem:$0x18400] =	vst v63  }
0x130: {  	_ = 	snop  }
0x131: {  	[tilespmem:s28], [sflag:$0x3] =	stream.indirect_vreg.gather [hbm4b:s7+s2], $0x80, v3, vm0, $0xb8;
	[tilespmem:$0x18400] =	vst v63  }
0x132: {  	_ = 	snop  }
0x133: {  	[tilespmem:s29], [sflag:$0x3] =	stream.indirect_vreg.gather [hbm4b:s9+s2], $0x80, v3, vm0, $0xb8;
	[tilespmem:$0x18400] =	vst v63  }
0x134: {  	_ = 	snop  }
0x135: {  	[tilespmem:s30], [sflag:$0x3] =	stream.indirect_vreg.gather [hbm4b:s11+s2], $0x80, v3, vm0, $0xb8;
	[tilespmem:$0x18400] =	vst v63  }
0x136: {  	_ =	swait.ge [sflag:s19], $0x8000  }
0x137: {  	[sflag:s19] =	ssyncset.done $0x0  }
0x138: {  	s5 =	rddreg [dreg:$0x8];
	[sflag:s19] =	ssyncadd.s32 $0xFFFF8000  }
0x139: {  	[hbm4b:s5+s2] =	stream.linear.scatter [tilespmem:s0], [sflag:$0x5], $0x8000, $0x38;
	[tilespmem:$0x18400] =	vst v63  }
0x13a: {  	_ =	swait.ge [sflag:s20], $0x8000  }
0x13b: {  	[sflag:s20] =	ssyncset.done $0x0  }
0x13c: {  	[sflag:s20] =	ssyncadd.s32 $0xFFFF8000  }
0x13d: {  	v3 =	vld [tilespmem:$0x300];
	_ =	sdelay $0x4  }
0x13e: {  	v60 =	vshll.u32 v3, $0x3  }
0x13f: {  	v3 =	vand.u32 $0x7, v3;
	v4 =	vand.u32 $0xFFFFFFC0, v60  }
0x140: {  	v3 =	vor.u32 v3, v4  }
0x141: {  	v4 =	vperm.xlane v3, v0;
	_ =	sdelay $0x1  }
0x142: {  	v4 =	vadd.s32 v1, v4;
	_ =	sdelay $0x4  }
0x143: {  	[tilespmem:s25], [sflag:$0x1] =	stream.indirect_vreg.gather [hbm4b:s3+s2], $0x80, v4, vm0, $0xb8;
	[tilespmem:$0x18400] =	vst v63  }
0x144: {  	s24 =	simm.s32 $0xC00;
	v3 =	vperm.xlane v3, v2  }
0x145: {  	[tilespmem:s24], [sflag:$0x1] =	stream.indirect_vreg.gather [hbm4b:s7+s2], $0x80, v4, vm0, $0xb8;
	[tilespmem:$0x18400] =	vst v63  }
0x146: {  	v3 =	vadd.s32 v1, v3;
	s24 =	simm.s32 $0x1400  }
0x147: {  	[tilespmem:s24], [sflag:$0x1] =	stream.indirect_vreg.gather [hbm4b:s9+s2], $0x80, v4, vm0, $0xb8;
	[tilespmem:$0x18400] =	vst v63  }
0x148: {  	s24 =	simm.s32 $0x1C00  }
0x149: {  	[tilespmem:s24], [sflag:$0x1] =	stream.indirect_vreg.gather [hbm4b:s11+s2], $0x80, v4, vm0, $0xb8;
	[tilespmem:$0x18400] =	vst v63  }
0x14a: {  	s24 =	simm.s32 $0x2400  }
0x14b: {  	[tilespmem:s24], [sflag:$0x1] =	stream.indirect_vreg.gather [hbm4b:s3+s2], $0x80, v3, vm0, $0xb8;
	[tilespmem:$0x18400] =	vst v63  }
0x14c: {  	s24 =	simm.s32 $0x2C00  }
0x14d: {  	[tilespmem:s24], [sflag:$0x1] =	stream.indirect_vreg.gather [hbm4b:s7+s2], $0x80, v3, vm0, $0xb8;
	[tilespmem:$0x18400] =	vst v63  }
0x14e: {  	s24 =	simm.s32 $0x3400  }
0x14f: {  	[tilespmem:s24], [sflag:$0x1] =	stream.indirect_vreg.gather [hbm4b:s9+s2], $0x80, v3, vm0, $0xb8;
	[tilespmem:$0x18400] =	vst v63  }
0x150: {  	s24 =	simm.s32 $0x3C00  }
0x151: {  	[tilespmem:s24], [sflag:$0x1] =	stream.indirect_vreg.gather [hbm4b:s11+s2], $0x80, v3, vm0, $0xb8;
	[tilespmem:$0x18400] =	vst v63  }
0x152: {  	v3 =	vld [tilespmem:$0x310];
	_ =	sdelay $0x4  }
0x153: {  	v61 =	vshll.u32 v3, $0x3  }
0x154: {  	v3 =	vand.u32 $0x7, v3;
	v4 =	vand.u32 $0xFFFFFFC0, v61  }
0x155: {  	v3 =	vor.u32 v3, v4  }
0x156: {  	v4 =	vperm.xlane v3, v0;
	_ =	sdelay $0x1  }
0x157: {  	v4 =	vadd.s32 v1, v4;
	_ =	sdelay $0x3  }
0x158: {  	s24 =	simm.s32 $0x4400  }
0x159: {  	[tilespmem:s24], [sflag:$0x1] =	stream.indirect_vreg.gather [hbm4b:s3+s2], $0x80, v4, vm0, $0xb8;
	[tilespmem:$0x18400] =	vst v63  }
0x15a: {  	v3 =	vperm.xlane v3, v2;
	s24 =	simm.s32 $0x4C00  }
0x15b: {  	[tilespmem:s24], [sflag:$0x1] =	stream.indirect_vreg.gather [hbm4b:s7+s2], $0x80, v4, vm0, $0xb8;
	[tilespmem:$0x18400] =	vst v63  }
0x15c: {  	v3 =	vadd.s32 v1, v3;
	s24 =	simm.s32 $0x5400  }
0x15d: {  	[tilespmem:s24], [sflag:$0x1] =	stream.indirect_vreg.gather [hbm4b:s9+s2], $0x80, v4, vm0, $0xb8;
	[tilespmem:$0x18400] =	vst v63  }
0x15e: {  	s24 =	simm.s32 $0x5C00  }
0x15f: {  	[tilespmem:s24], [sflag:$0x1] =	stream.indirect_vreg.gather [hbm4b:s11+s2], $0x80, v4, vm0, $0xb8;
	[tilespmem:$0x18400] =	vst v63  }
0x160: {  	s24 =	simm.s32 $0x6400  }
0x161: {  	[tilespmem:s24], [sflag:$0x1] =	stream.indirect_vreg.gather [hbm4b:s3+s2], $0x80, v3, vm0, $0xb8;
	[tilespmem:$0x18400] =	vst v63  }
0x162: {  	s24 =	simm.s32 $0x6C00  }
0x163: {  	[tilespmem:s24], [sflag:$0x1] =	stream.indirect_vreg.gather [hbm4b:s7+s2], $0x80, v3, vm0, $0xb8;
	[tilespmem:$0x18400] =	vst v63  }
0x164: {  	s24 =	simm.s32 $0x7400  }
0x165: {  	[tilespmem:s24], [sflag:$0x1] =	stream.indirect_vreg.gather [hbm4b:s9+s2], $0x80, v3, vm0, $0xb8;
	[tilespmem:$0x18400] =	vst v63  }
0x166: {  	s24 =	simm.s32 $0x7C00  }
0x167: {  	[tilespmem:s24], [sflag:$0x1] =	stream.indirect_vreg.gather [hbm4b:s11+s2], $0x80, v3, vm0, $0xb8;
	[tilespmem:$0x18400] =	vst v63  }
0x168: {  	_ =	swait.ge [sflag:s31], $0x8000  }
0x169: {  	[sflag:s31] =	ssyncset.done $0x0  }
0x16a: {  	s5 =	rddreg [dreg:$0x9];
	[sflag:s31] =	ssyncadd.s32 $0xFFFF8000  }
0x16b: {  	[hbm4b:s5+s2] =	stream.linear.scatter [tilespmem:s1], [sflag:$0x6], $0x8000, $0x38;
	[tilespmem:$0x18400] =	vst v63  }
0x16c: {  	_ =	swait.ge [sflag:s22], $0x8000  }
0x16d: {  	[sflag:s22] =	ssyncset.done $0x0  }
0x16e: {  	[sflag:s22] =	ssyncadd.s32 $0xFFFF8000  }
0x16f: {  	v3 =	vld [tilespmem:$0x380];
	_ =	sdelay $0x4  }
0x170: {  	v62 =	vshll.u32 v3, $0x3  }
0x171: {  	v3 =	vand.u32 $0x7, v3;
	v4 =	vand.u32 $0xFFFFFFC0, v62  }
0x172: {  	v3 =	vor.u32 v3, v4  }
0x173: {  	v4 =	vperm.xlane v3, v0;
	_ =	sdelay $0x1  }
0x174: {  	v4 =	vadd.s32 v1, v4;
	_ =	sdelay $0x4  }
0x175: {  	[tilespmem:s0], [sflag:$0x2] =	stream.indirect_vreg.gather [hbm4b:s3+s2], $0x80, v4, vm0, $0xb8;
	[tilespmem:$0x18400] =	vst v63  }
0x176: {  	s24 =	simm.s32 $0x8C00;
	v3 =	vperm.xlane v3, v2  }
0x177: {  	[tilespmem:s24], [sflag:$0x2] =	stream.indirect_vreg.gather [hbm4b:s7+s2], $0x80, v4, vm0, $0xb8;
	[tilespmem:$0x18400] =	vst v63  }
0x178: {  	s5 =	simm.s32 $0x9400;
	v3 =	vadd.s32 v1, v3  }
0x179: {  	[tilespmem:s5], [sflag:$0x2] =	stream.indirect_vreg.gather [hbm4b:s9+s2], $0x80, v4, vm0, $0xb8;
	[tilespmem:$0x18400] =	vst v63  }
0x17a: {  	s24 =	simm.s32 $0x9C00  }
0x17b: {  	[tilespmem:s24], [sflag:$0x2] =	stream.indirect_vreg.gather [hbm4b:s11+s2], $0x80, v4, vm0, $0xb8;
	[tilespmem:$0x18400] =	vst v63  }
0x17c: {  	s5 =	simm.s32 $0xA400  }
0x17d: {  	[tilespmem:s5], [sflag:$0x2] =	stream.indirect_vreg.gather [hbm4b:s3+s2], $0x80, v3, vm0, $0xb8;
	[tilespmem:$0x18400] =	vst v63  }
0x17e: {  	s24 =	simm.s32 $0xAC00  }
0x17f: {  	[tilespmem:s24], [sflag:$0x2] =	stream.indirect_vreg.gather [hbm4b:s7+s2], $0x80, v3, vm0, $0xb8;
	[tilespmem:$0x18400] =	vst v63  }
0x180: {  	s5 =	simm.s32 $0xB400  }
0x181: {  	[tilespmem:s5], [sflag:$0x2] =	stream.indirect_vreg.gather [hbm4b:s9+s2], $0x80, v3, vm0, $0xb8;
	[tilespmem:$0x18400] =	vst v63  }
0x182: {  	s24 =	simm.s32 $0xBC00  }
0x183: {  	[tilespmem:s24], [sflag:$0x2] =	stream.indirect_vreg.gather [hbm4b:s11+s2], $0x80, v3, vm0, $0xb8;
	[tilespmem:$0x18400] =	vst v63  }
0x184: {  	v3 =	vld [tilespmem:$0x390];
	_ =	sdelay $0x4  }
0x185: {  	v63 =	vshll.u32 v3, $0x3  }
0x186: {  	v3 =	vand.u32 $0x7, v3;
	v4 =	vand.u32 $0xFFFFFFC0, v63  }
0x187: {  	v3 =	vor.u32 v3, v4  }
0x188: {  	v4 =	vperm.xlane v3, v0;
	_ =	sdelay $0x1  }
0x189: {  	v4 =	vadd.s32 v1, v4;
	_ =	sdelay $0x3  }
0x18a: {  	s5 =	simm.s32 $0xC400  }
0x18b: {  	[tilespmem:s5], [sflag:$0x2] =	stream.indirect_vreg.gather [hbm4b:s3+s2], $0x80, v4, vm0, $0xb8;
	[tilespmem:$0x18400] =	vst v63  }
0x18c: {  	s24 =	simm.s32 $0xCC00;
	v3 =	vperm.xlane v3, v2  }
0x18d: {  	[tilespmem:s24], [sflag:$0x2] =	stream.indirect_vreg.gather [hbm4b:s7+s2], $0x80, v4, vm0, $0xb8;
	[tilespmem:$0x18400] =	vst v63  }
0x18e: {  	v3 =	vadd.s32 v1, v3;
	s5 =	simm.s32 $0xD400  }
0x18f: {  	[tilespmem:s5], [sflag:$0x2] =	stream.indirect_vreg.gather [hbm4b:s9+s2], $0x80, v4, vm0, $0xb8;
	[tilespmem:$0x18400] =	vst v63  }
0x190: {  	s24 =	simm.s32 $0xDC00  }
0x191: {  	[tilespmem:s24], [sflag:$0x2] =	stream.indirect_vreg.gather [hbm4b:s11+s2], $0x80, v4, vm0, $0xb8;
	[tilespmem:$0x18400] =	vst v63  }
0x192: {  	s5 =	simm.s32 $0xE400  }
0x193: {  	[tilespmem:s5], [sflag:$0x2] =	stream.indirect_vreg.gather [hbm4b:s3+s2], $0x80, v3, vm0, $0xb8;
	[tilespmem:$0x18400] =	vst v63  }
0x194: {  	s24 =	simm.s32 $0xEC00  }
0x195: {  	[tilespmem:s24], [sflag:$0x2] =	stream.indirect_vreg.gather [hbm4b:s7+s2], $0x80, v3, vm0, $0xb8;
	[tilespmem:$0x18400] =	vst v63  }
0x196: {  	s5 =	simm.s32 $0xF400  }
0x197: {  	[tilespmem:s5], [sflag:$0x2] =	stream.indirect_vreg.gather [hbm4b:s9+s2], $0x80, v3, vm0, $0xb8;
	[tilespmem:$0x18400] =	vst v63  }
0x198: {  	s24 =	simm.s32 $0xFC00  }
0x199: {  	[tilespmem:s24], [sflag:$0x2] =	stream.indirect_vreg.gather [hbm4b:s11+s2], $0x80, v3, vm0, $0xb8;
	[tilespmem:$0x18400] =	vst v63  }
0x19a: {  	_ =	swait.ge [sflag:s17], $0x8000  }
0x19b: {  	[sflag:s17] =	ssyncset.done $0x0  }
0x19c: {  	s1 =	rddreg [dreg:$0xa];
	[sflag:s17] =	ssyncadd.s32 $0xFFFF8000  }
0x19d: {  	[hbm4b:s1+s2] =	stream.linear.scatter [tilespmem:s25], [sflag:$0x4], $0x8000, $0x38;
	[tilespmem:$0x18400] =	vst v63  }
0x19e: {  	_ =	swait.ge [sflag:s19], $0x8000  }
0x19f: {  	[sflag:s19] =	ssyncset.done $0x0  }
0x1a0: {  	s5 =	rddreg [dreg:$0xb];
	[sflag:s19] =	ssyncadd.s32 $0xFFFF8000  }
0x1a1: {  	[hbm4b:s5+s2] =	stream.linear.scatter [tilespmem:s0], [sflag:$0x5], $0x8000, $0x38;
	[tilespmem:$0x18400] =	vst v63  }
0x1a2: {  	_ =	swait.ge [sflag:s23], $0x8000  }
0x1a3: {  	[sflag:s23] =	ssyncset.done $0x0  }
0x1a4: {  	[sflag:s23] =	ssyncadd.s32 $0xFFFF8000  }
0x1a5: {  	p0 =	sne.s32 s4, $0x1;
	_ =	swait.ge [sflag:s20], $0x8000  }
.Ltmp0:
0x1a6: {  	[sflag:s20] =	ssyncset.done $0x0;
	(pc) =	sbr.rel @p0 .LBB2_1-.Ltmp0, $4  }
0x1a7: {  	[sflag:s20] =	ssyncadd.s32 $0xFFFF8000  }
0x1a8: {  	_ =	swait.ge [sflag:s22], $0x8000  }
0x1a9: {  	[sflag:s22] =	ssyncset.done $0x0  }
0x1aa: {  	s4 =	sadd.s32 $0xFFFFFFFF, s4;
	[sflag:s22] =	ssyncadd.s32 $0xFFFF8000  }
0x1ab: {  	_ =	sfence.sel $0x180000  }
0x1ac: {  	[bflag:$0x0] =	sbarrier.arrive $0xFFFF  }
0x1ad: {  	_ =	strace $0x90000047  }
0x1ae: {  	s0 =	stileid.u32;
	[bflag:$0x2] =	sbarrier.arrive $0xFFFF  }
0x1af: {  	p0 =	sne.s32 s0, $0x0;
	s0 =	rddreg [dreg:$0x2]  }
0x1b0: {  	s0 =	sadd.s32 @!p0 $0x100000, s0  }
0x1b1: {  	[sflag:s0] =	ssyncadd.tile.s32 @!p0 $0x1;
	_ =	shalt  }
.Lfunc_end2:
_tile_overlayer_lowered:
.L_overlay_start_2:
0x1b2: {  	(tag) =	ssettag $0x2  }
0x1b3: {  	s0 =	rddreg [dreg:$0x0];
	s2 =	stileid.u32  }
0x1b4: {  	s1 =	rddreg [dreg:$0x1];
	p0 =	sne.s32 s2, $0x0  }
0x1b5: {  	s3 =	rddreg [dreg:$0x2];
	[bflag:$0x3] =	sbarrier.arrive $0xFFFF;
	s2 =	simm.s32 @!p0 $0x1C07  }
0x1b6: {  	[timem:s3], [sflag:s2] =	dma.local @!p0 [hbm:s0], s1  }
0x1b7: {  	s0 =	simm.s32 @!p0 $0x7  }
0x1b8: {  	_ =	swait.ge @!p0 [sflag:s0], s1  }
0x1b9: {  	s1 =	ssub.s32 @!p0 $0x0, s1;
	[sflag:s0] =	ssyncset.done @!p0 $0x0  }
0x1ba: {  	[sflag:s0] =	ssyncadd.s32 @!p0 s1  }
0x1bb: {  	[bflag:$0x3] =	sbarrier.arrive $0xFFFF  }
0x1bc: {  	_ =	shalt  }

</sc_bundles>
